<compile_context>
chip_gen: v7x
topology: tpu7x:2x2x1
jax: 0.10.2.dev20260603
libtpu: 0.0.44.dev20260713+nightly
codegen_flags: <defaults>
</compile_context>

<pallas_src>
import functools

import jax
import jax.numpy as jnp
from jax import lax
from jax.experimental import pallas as pl
from jax.experimental.pallas import tpu as pltpu
from jax.experimental.pallas import tpu_sc as plsc

N = 10000
C = 128
K = 32
F = 64
NP = 10240
NW = 32
PPW = NP // NW
PC = 32
NCHUNK = PPW // PC
GB = PC * K // 128
IPW = NCHUNK * GB
FVB = F // 32

_mesh = plsc.VectorSubcoreMesh(
    core_axis_name="c", subcore_axis_name="s", num_cores=2, num_subcores=16
)

_SC_SCRATCH = [
    pltpu.VMEM((IPW, 128), jnp.int32),
    pltpu.VMEM((2, PC * K, F), jnp.bfloat16),
    pltpu.VMEM((PPW, F), jnp.bfloat16),
    pltpu.VMEM_SHARED((N, F), jnp.bfloat16),
    pltpu.SemaphoreType.DMA,
    pltpu.SemaphoreType.DMA,
]


def _gather_max_body(
    xt_hbm, idx_hbm, agg_hbm, idx_v, rows_v, out_v, tab_v, sem0, sem1
):
    wid = lax.axis_index("s") * 2 + lax.axis_index("c")
    sems = (sem0, sem1)

    @pl.when(lax.axis_index("s") == 0)
    def _():
        pltpu.sync_copy(xt_hbm, tab_v)

    pltpu.sync_copy(idx_hbm.at[pl.ds(wid * IPW, IPW)], idx_v)
    plsc.subcore_barrier()

    def fire(cc, b):
        for j in range(GB):
            pltpu.async_copy(
                tab_v.at[idx_v.at[cc * GB + j]],
                rows_v.at[b].at[pl.ds(j * 128, 128)],
                sems[b],
            )

    def drain(b):
        pltpu.make_async_copy(
            xt_hbm.at[pl.ds(0, PC * K)], rows_v.at[b], sems[b]
        ).wait()

    def compute(cc, b):
        def point_body(p, carry2):
            base = p * K
            vals = [
                [rows_v[b, base + k, pl.ds(f * 32, 32)] for f in range(FVB)]
                for k in range(K)
            ]
            while len(vals) > 1:
                nxt = []
                for i in range(0, len(vals) - 1, 2):
                    nxt.append(
                        [jnp.maximum(a, c) for a, c in zip(vals[i], vals[i + 1])]
                    )
                if len(vals) % 2:
                    nxt.append(vals[-1])
                vals = nxt
            row = cc * PC + p
            for f in range(FVB):
                out_v[row, pl.ds(f * 32, 32)] = vals[0][f]
            return carry2

        lax.fori_loop(0, PC, point_body, 0)

    fire(0, 0)

    def pair_body(t, carry):
        c2 = t * 2
        fire(c2 + 1, 1)
        drain(0)
        compute(c2, 0)

        @pl.when(c2 + 2 < NCHUNK)
        def _():
            fire(c2 + 2, 0)

        drain(1)
        compute(c2 + 1, 1)
        return carry

    lax.fori_loop(0, NCHUNK // 2, pair_body, 0)
    pltpu.sync_copy(out_v, agg_hbm.at[pl.ds(wid * PPW, PPW)])


_gather_max = pl.kernel(
    _gather_max_body,
    out_type=jax.ShapeDtypeStruct((NP, F), jnp.bfloat16),
    mesh=_mesh,
    scratch_types=_SC_SCRATCH,
    compiler_params=pltpu.CompilerParams(use_tc_tiling_on_sc=False),
)


BN = 2048
NBLK = NP // BN


def _mlp_body(x_ref, agg_ref, w1_ref, b1_ref, w2_ref, b2_ref, out_ref):
    aggb = agg_ref[...].astype(jnp.float32)
    h = jnp.maximum(
        jnp.dot(aggb, w1_ref[...], preferred_element_type=jnp.float32)
        + b1_ref[...],
        0.0,
    )
    f = (
        jnp.dot(h, w2_ref[...], preferred_element_type=jnp.float32)
        + b2_ref[...]
    )
    xb = x_ref[...]
    yfull = jnp.concatenate([xb[:, F:], xb[:, :F] + f], axis=1)
    out_ref[...] = yfull.T[None]


_mlp = pl.pallas_call(
    _mlp_body,
    grid=(NBLK,),
    in_specs=[
        pl.BlockSpec((BN, C), lambda i: (i, 0)),
        pl.BlockSpec((BN, F), lambda i: (i, 0)),
        pl.BlockSpec((F, F), lambda i: (0, 0)),
        pl.BlockSpec((1, F), lambda i: (0, 0)),
        pl.BlockSpec((F, F), lambda i: (0, 0)),
        pl.BlockSpec((1, F), lambda i: (0, 0)),
    ],
    out_specs=pl.BlockSpec((1, C, BN), lambda i: (0, 0, i)),
    out_shape=jax.ShapeDtypeStruct((1, C, N), jnp.float32),
)


def kernel(x, neigh_idx, W1, b1, W2, b2):
    x0 = x[0]
    x2b = x0[:, F:].astype(jnp.bfloat16)
    idx_r = jnp.pad(
        neigh_idx.astype(jnp.int32).reshape(N * K // 128, 128),
        ((0, (NP - N) * K // 128), (0, 0)),
    )
    agg = _gather_max(x2b, idx_r)
    return _mlp(x0, agg, W1, b1[None], W2, b2[None])

# --- scband reference (transcript-rebuilt; emitter-appended) ---
"""Pipeline reference for scband-i-net-76656576299159 (READ-ONLY COPY).

The authoritative reference and input builder live on the scoring server;
editing this copy changes nothing except your own understanding.
"""

import jax, jax.numpy as jnp
import numpy as np

N = 10000
C = 128
K = 32
SPLIT = 64  # channel_split_pos

def setup_inputs(seed: int = 0) -> dict:
    key = jax.random.key(seed)
    k1, k2, k3, k4 = jax.random.split(key, 4)
    x = jax.random.normal(k1, (1, N, C), dtype=jnp.float32)
    neigh_idx = jax.random.randint(k2, (1, N, K), 0, N)
    # learned params of the coupling function F (dim=64 -> hidden 64 -> 64)
    W1 = jax.random.normal(k3, (64, 64), dtype=jnp.float32) * 0.05
    b1 = jnp.zeros((64,), dtype=jnp.float32)
    W2 = jax.random.normal(k4, (64, 64), dtype=jnp.float32) * 0.05
    b2 = jnp.zeros((64,), dtype=jnp.float32)
    return {"x": x, "neigh_idx": neigh_idx, "W1": W1, "b1": b1, "W2": W2, "b2": b2}

def reference(x, neigh_idx, W1, b1, W2, b2):
    # AdditiveCouplingHalf.forward: x [B, N, C] -> permute -> [B, C, N]
    xp = jnp.transpose(x, (0, 2, 1))
    x1 = xp[:, :SPLIT]   # [B, 64, N]
    x2 = xp[:, SPLIT:]   # [B, 64, N]
    # coupling function F (neighbor-attention style message passing on x2):
    x2_nl = jnp.transpose(x2, (0, 2, 1))                       # [B, N, 64]
    nbr = jax.vmap(lambda f, idx: f[idx])(x2_nl, neigh_idx)    # gather: [B, N, K, 64]
    agg = jnp.max(nbr, axis=2)                                 # segment-style max reduce: [B, N, 64]
    h = jax.nn.relu(agg @ W1 + b1)                             # [B, N, 64]
    f = h @ W2 + b2                                            # [B, N, 64]
    y1 = x2
    y2 = x1 + jnp.transpose(f, (0, 2, 1))                      # [B, 64, N]
    out = jnp.concatenate([y1, y2], axis=1)                    # [B, 128, N]
    return out

if __name__ == "__main__":
    import jax
    _d = setup_inputs()
    print(jax.jit(kernel)(*tuple(_d.values())))

</pallas_src>

<mosaic_0001>
#map = affine_map<(d0, d1) -> (0, 0)>
module attributes {stable_mosaic.version = 14 : i64} {
  func.func @_gather_max_body(%arg0: i32, %arg1: i32, %arg2: memref<10000x64xbf16, #tpu.memory_space<hbm>>, %arg3: memref<2560x128xi32, #tpu.memory_space<hbm>>, %arg4: memref<10240x64xbf16, #tpu.memory_space<hbm>>, %arg5: memref<80x128xi32, #tpu.memory_space<vmem>>, %arg6: memref<2x1024x64xbf16, #tpu.memory_space<vmem>>, %arg7: memref<320x64xbf16, #tpu.memory_space<vmem>>, %arg8: memref<10000x64xbf16, #tpu.memory_space<vmem_shared>>, %arg9: memref<!tpu.dma_semaphore, #tpu.memory_space<semaphore_mem>>, %arg10: memref<!tpu.dma_semaphore, #tpu.memory_space<semaphore_mem>>) attributes {dimension_semantics = [#tpu.dimension_semantics<core_parallel>, #tpu.dimension_semantics<subcore_parallel>], iteration_bounds = array<i64: 2, 16>, scalar_prefetch = 0 : i64, scratch_operands = 6 : i64, tpu.core_type = #tpu.core_type<sc_vector_subcore>, window_params = [{transform_indices = #map}, {transform_indices = #map}, {transform_indices = #map}]} {
    %mul3A = arith.constant 2 : i32
    %mul3A_0 = arith.muli %arg1, %mul3A : i32
    %add3A = arith.addi %mul3A_0, %arg0 : i32
    %eq3A = arith.constant 0 : i32
    %eq3A_1 = arith.cmpi eq, %arg1, %eq3A : i32
    %convert_element_type3A = arith.extui %eq3A_1 : i1 to i32
    %cond3A = arith.constant 0 : i32
    %cond3A_2 = arith.cmpi ne, %convert_element_type3A, %cond3A : i32
    scf.if %cond3A_2 {
      "tpu.region"() ({
        %run_scoped3A = tpu.sem_alloc : memref<!tpu.dma_semaphore, #tpu.memory_space<semaphore_mem>>
        tpu.enqueue_dma source(%arg2 : memref<10000x64xbf16, #tpu.memory_space<hbm>>) target(%arg8 : memref<10000x64xbf16, #tpu.memory_space<vmem_shared>>) target_semaphore(%run_scoped3A : memref<!tpu.dma_semaphore, #tpu.memory_space<semaphore_mem>>)
        tpu.wait_dma2 semaphore(%run_scoped3A : memref<!tpu.dma_semaphore, #tpu.memory_space<semaphore_mem>>) src(%arg2 : memref<10000x64xbf16, #tpu.memory_space<hbm>>) dst(%arg8 : memref<10000x64xbf16, #tpu.memory_space<vmem_shared>>)
        tpu.yield
      }) : () -> ()
    } else {
    }
    %mul3A_3 = arith.constant 80 : i32
    %mul3A_4 = arith.muli %add3A, %mul3A_3 : i32
    "tpu.region"() ({
      %run_scoped3A = tpu.sem_alloc : memref<!tpu.dma_semaphore, #tpu.memory_space<semaphore_mem>>
      %dma_start3A_131 = arith.constant 0 : i32
      %dma_start3A_132 = tpu.memref_slice %arg3[%mul3A_4, %dma_start3A_131] : memref<2560x128xi32, #tpu.memory_space<hbm>> -> memref<80x128xi32, #tpu.memory_space<hbm>>
      %dma_start3A_133 = arith.constant 0 : i32
      %dma_start3A_134 = tpu.memref_slice %arg3[%mul3A_4, %dma_start3A_133] : memref<2560x128xi32, #tpu.memory_space<hbm>> -> memref<80x128xi32, #tpu.memory_space<hbm>>
      tpu.enqueue_dma source(%dma_start3A_134 : memref<80x128xi32, #tpu.memory_space<hbm>>) target(%arg5 : memref<80x128xi32, #tpu.memory_space<vmem>>) target_semaphore(%run_scoped3A : memref<!tpu.dma_semaphore, #tpu.memory_space<semaphore_mem>>)
      %dma_wait3A = arith.constant 0 : i32
      %dma_wait3A_135 = tpu.memref_slice %arg3[%mul3A_4, %dma_wait3A] : memref<2560x128xi32, #tpu.memory_space<hbm>> -> memref<80x128xi32, #tpu.memory_space<hbm>>
      %dma_wait3A_136 = arith.constant 0 : i32
      %dma_wait3A_137 = tpu.memref_slice %arg3[%mul3A_4, %dma_wait3A_136] : memref<2560x128xi32, #tpu.memory_space<hbm>> -> memref<80x128xi32, #tpu.memory_space<hbm>>
      tpu.wait_dma2 semaphore(%run_scoped3A : memref<!tpu.dma_semaphore, #tpu.memory_space<semaphore_mem>>) src(%dma_wait3A_137 : memref<80x128xi32, #tpu.memory_space<hbm>>) dst(%arg5 : memref<80x128xi32, #tpu.memory_space<vmem>>)
      tpu.yield
    }) : () -> ()
    %barrier3A = arith.constant 0 : index
    tpu.barrier barrier_id(%barrier3A)
    %dma_start3A = arith.constant 0 : i32
    %dma_start3A_5 = arith.constant 0 : i32
    %dma_start3A_6 = arith.constant 0 : i32
    %dma_start3A_7 = arith.constant 0 : i32
    %dma_start3A_8 = tpu.memref_slice %arg6[%dma_start3A_5, %dma_start3A_6, %dma_start3A_7] : memref<2x1024x64xbf16, #tpu.memory_space<vmem>> -> memref<1x1024x64xbf16, #tpu.memory_space<vmem>>
    %dma_start3A_9 = tpu.memref_squeeze %dma_start3A_8 : memref<1x1024x64xbf16, #tpu.memory_space<vmem>> -> memref<1024x64xbf16, #tpu.memory_space<vmem>>
    %dma_start3A_10 = arith.constant 0 : i32
    %dma_start3A_11 = arith.constant 0 : i32
    %dma_start3A_12 = tpu.memref_slice %dma_start3A_9[%dma_start3A_10, %dma_start3A_11] : memref<1024x64xbf16, #tpu.memory_space<vmem>> -> memref<128x64xbf16, #tpu.memory_space<vmem>>
    %dma_start3A_13 = arith.constant 0 : i32
    %dma_start3A_14 = tpu.memref_slice %arg5[%dma_start3A, %dma_start3A_13] : memref<80x128xi32, #tpu.memory_space<vmem>> -> memref<1x128xi32, #tpu.memory_space<vmem>>
    %dma_start3A_15 = tpu.memref_squeeze %dma_start3A_14 : memref<1x128xi32, #tpu.memory_space<vmem>> -> memref<128xi32, #tpu.memory_space<vmem>>
    %dma_start3A_16 = arith.constant 0 : i32
    %dma_start3A_17 = arith.constant 0 : i32
    %dma_start3A_18 = tpu.memref_slice %arg8[%dma_start3A_16, %dma_start3A_17] : memref<10000x64xbf16, #tpu.memory_space<vmem_shared>> -> memref<10000x64xbf16, #tpu.memory_space<vmem_shared>>
    tpu.enqueue_indirect_dma source(%dma_start3A_18 : memref<10000x64xbf16, #tpu.memory_space<vmem_shared>>) target(%dma_start3A_12 : memref<128x64xbf16, #tpu.memory_space<vmem>>) offsets(%dma_start3A_15 : memref<128xi32, #tpu.memory_space<vmem>>) semaphore(%arg9 : memref<!tpu.dma_semaphore, #tpu.memory_space<semaphore_mem>>)
    %dma_start3A_19 = arith.constant 1 : i32
    %dma_start3A_20 = arith.constant 0 : i32
    %dma_start3A_21 = arith.constant 0 : i32
    %dma_start3A_22 = arith.constant 0 : i32
    %dma_start3A_23 = tpu.memref_slice %arg6[%dma_start3A_20, %dma_start3A_21, %dma_start3A_22] : memref<2x1024x64xbf16, #tpu.memory_space<vmem>> -> memref<1x1024x64xbf16, #tpu.memory_space<vmem>>
    %dma_start3A_24 = tpu.memref_squeeze %dma_start3A_23 : memref<1x1024x64xbf16, #tpu.memory_space<vmem>> -> memref<1024x64xbf16, #tpu.memory_space<vmem>>
    %dma_start3A_25 = arith.constant 128 : i32
    %dma_start3A_26 = arith.constant 0 : i32
    %dma_start3A_27 = tpu.memref_slice %dma_start3A_24[%dma_start3A_25, %dma_start3A_26] : memref<1024x64xbf16, #tpu.memory_space<vmem>> -> memref<128x64xbf16, #tpu.memory_space<vmem>>
    %dma_start3A_28 = arith.constant 0 : i32
    %dma_start3A_29 = tpu.memref_slice %arg5[%dma_start3A_19, %dma_start3A_28] : memref<80x128xi32, #tpu.memory_space<vmem>> -> memref<1x128xi32, #tpu.memory_space<vmem>>
    %dma_start3A_30 = tpu.memref_squeeze %dma_start3A_29 : memref<1x128xi32, #tpu.memory_space<vmem>> -> memref<128xi32, #tpu.memory_space<vmem>>
    %dma_start3A_31 = arith.constant 0 : i32
    %dma_start3A_32 = arith.constant 0 : i32
    %dma_start3A_33 = tpu.memref_slice %arg8[%dma_start3A_31, %dma_start3A_32] : memref<10000x64xbf16, #tpu.memory_space<vmem_shared>> -> memref<10000x64xbf16, #tpu.memory_space<vmem_shared>>
    tpu.enqueue_indirect_dma source(%dma_start3A_33 : memref<10000x64xbf16, #tpu.memory_space<vmem_shared>>) target(%dma_start3A_27 : memref<128x64xbf16, #tpu.memory_space<vmem>>) offsets(%dma_start3A_30 : memref<128xi32, #tpu.memory_space<vmem>>) semaphore(%arg9 : memref<!tpu.dma_semaphore, #tpu.memory_space<semaphore_mem>>)
    %dma_start3A_34 = arith.constant 2 : i32
    %dma_start3A_35 = arith.constant 0 : i32
    %dma_start3A_36 = arith.constant 0 : i32
    %dma_start3A_37 = arith.constant 0 : i32
    %dma_start3A_38 = tpu.memref_slice %arg6[%dma_start3A_35, %dma_start3A_36, %dma_start3A_37] : memref<2x1024x64xbf16, #tpu.memory_space<vmem>> -> memref<1x1024x64xbf16, #tpu.memory_space<vmem>>
    %dma_start3A_39 = tpu.memref_squeeze %dma_start3A_38 : memref<1x1024x64xbf16, #tpu.memory_space<vmem>> -> memref<1024x64xbf16, #tpu.memory_space<vmem>>
    %dma_start3A_40 = arith.constant 256 : i32
    %dma_start3A_41 = arith.constant 0 : i32
    %dma_start3A_42 = tpu.memref_slice %dma_start3A_39[%dma_start3A_40, %dma_start3A_41] : memref<1024x64xbf16, #tpu.memory_space<vmem>> -> memref<128x64xbf16, #tpu.memory_space<vmem>>
    %dma_start3A_43 = arith.constant 0 : i32
    %dma_start3A_44 = tpu.memref_slice %arg5[%dma_start3A_34, %dma_start3A_43] : memref<80x128xi32, #tpu.memory_space<vmem>> -> memref<1x128xi32, #tpu.memory_space<vmem>>
    %dma_start3A_45 = tpu.memref_squeeze %dma_start3A_44 : memref<1x128xi32, #tpu.memory_space<vmem>> -> memref<128xi32, #tpu.memory_space<vmem>>
    %dma_start3A_46 = arith.constant 0 : i32
    %dma_start3A_47 = arith.constant 0 : i32
    %dma_start3A_48 = tpu.memref_slice %arg8[%dma_start3A_46, %dma_start3A_47] : memref<10000x64xbf16, #tpu.memory_space<vmem_shared>> -> memref<10000x64xbf16, #tpu.memory_space<vmem_shared>>
    tpu.enqueue_indirect_dma source(%dma_start3A_48 : memref<10000x64xbf16, #tpu.memory_space<vmem_shared>>) target(%dma_start3A_42 : memref<128x64xbf16, #tpu.memory_space<vmem>>) offsets(%dma_start3A_45 : memref<128xi32, #tpu.memory_space<vmem>>) semaphore(%arg9 : memref<!tpu.dma_semaphore, #tpu.memory_space<semaphore_mem>>)
    %dma_start3A_49 = arith.constant 3 : i32
    %dma_start3A_50 = arith.constant 0 : i32
    %dma_start3A_51 = arith.constant 0 : i32
    %dma_start3A_52 = arith.constant 0 : i32
    %dma_start3A_53 = tpu.memref_slice %arg6[%dma_start3A_50, %dma_start3A_51, %dma_start3A_52] : memref<2x1024x64xbf16, #tpu.memory_space<vmem>> -> memref<1x1024x64xbf16, #tpu.memory_space<vmem>>
    %dma_start3A_54 = tpu.memref_squeeze %dma_start3A_53 : memref<1x1024x64xbf16, #tpu.memory_space<vmem>> -> memref<1024x64xbf16, #tpu.memory_space<vmem>>
    %dma_start3A_55 = arith.constant 384 : i32
    %dma_start3A_56 = arith.constant 0 : i32
    %dma_start3A_57 = tpu.memref_slice %dma_start3A_54[%dma_start3A_55, %dma_start3A_56] : memref<1024x64xbf16, #tpu.memory_space<vmem>> -> memref<128x64xbf16, #tpu.memory_space<vmem>>
    %dma_start3A_58 = arith.constant 0 : i32
    %dma_start3A_59 = tpu.memref_slice %arg5[%dma_start3A_49, %dma_start3A_58] : memref<80x128xi32, #tpu.memory_space<vmem>> -> memref<1x128xi32, #tpu.memory_space<vmem>>
    %dma_start3A_60 = tpu.memref_squeeze %dma_start3A_59 : memref<1x128xi32, #tpu.memory_space<vmem>> -> memref<128xi32, #tpu.memory_space<vmem>>
    %dma_start3A_61 = arith.constant 0 : i32
    %dma_start3A_62 = arith.constant 0 : i32
    %dma_start3A_63 = tpu.memref_slice %arg8[%dma_start3A_61, %dma_start3A_62] : memref<10000x64xbf16, #tpu.memory_space<vmem_shared>> -> memref<10000x64xbf16, #tpu.memory_space<vmem_shared>>
    tpu.enqueue_indirect_dma source(%dma_start3A_63 : memref<10000x64xbf16, #tpu.memory_space<vmem_shared>>) target(%dma_start3A_57 : memref<128x64xbf16, #tpu.memory_space<vmem>>) offsets(%dma_start3A_60 : memref<128xi32, #tpu.memory_space<vmem>>) semaphore(%arg9 : memref<!tpu.dma_semaphore, #tpu.memory_space<semaphore_mem>>)
    %dma_start3A_64 = arith.constant 4 : i32
    %dma_start3A_65 = arith.constant 0 : i32
    %dma_start3A_66 = arith.constant 0 : i32
    %dma_start3A_67 = arith.constant 0 : i32
    %dma_start3A_68 = tpu.memref_slice %arg6[%dma_start3A_65, %dma_start3A_66, %dma_start3A_67] : memref<2x1024x64xbf16, #tpu.memory_space<vmem>> -> memref<1x1024x64xbf16, #tpu.memory_space<vmem>>
    %dma_start3A_69 = tpu.memref_squeeze %dma_start3A_68 : memref<1x1024x64xbf16, #tpu.memory_space<vmem>> -> memref<1024x64xbf16, #tpu.memory_space<vmem>>
    %dma_start3A_70 = arith.constant 512 : i32
    %dma_start3A_71 = arith.constant 0 : i32
    %dma_start3A_72 = tpu.memref_slice %dma_start3A_69[%dma_start3A_70, %dma_start3A_71] : memref<1024x64xbf16, #tpu.memory_space<vmem>> -> memref<128x64xbf16, #tpu.memory_space<vmem>>
    %dma_start3A_73 = arith.constant 0 : i32
    %dma_start3A_74 = tpu.memref_slice %arg5[%dma_start3A_64, %dma_start3A_73] : memref<80x128xi32, #tpu.memory_space<vmem>> -> memref<1x128xi32, #tpu.memory_space<vmem>>
    %dma_start3A_75 = tpu.memref_squeeze %dma_start3A_74 : memref<1x128xi32, #tpu.memory_space<vmem>> -> memref<128xi32, #tpu.memory_space<vmem>>
    %dma_start3A_76 = arith.constant 0 : i32
    %dma_start3A_77 = arith.constant 0 : i32
    %dma_start3A_78 = tpu.memref_slice %arg8[%dma_start3A_76, %dma_start3A_77] : memref<10000x64xbf16, #tpu.memory_space<vmem_shared>> -> memref<10000x64xbf16, #tpu.memory_space<vmem_shared>>
    tpu.enqueue_indirect_dma source(%dma_start3A_78 : memref<10000x64xbf16, #tpu.memory_space<vmem_shared>>) target(%dma_start3A_72 : memref<128x64xbf16, #tpu.memory_space<vmem>>) offsets(%dma_start3A_75 : memref<128xi32, #tpu.memory_space<vmem>>) semaphore(%arg9 : memref<!tpu.dma_semaphore, #tpu.memory_space<semaphore_mem>>)
    %dma_start3A_79 = arith.constant 5 : i32
    %dma_start3A_80 = arith.constant 0 : i32
    %dma_start3A_81 = arith.constant 0 : i32
    %dma_start3A_82 = arith.constant 0 : i32
    %dma_start3A_83 = tpu.memref_slice %arg6[%dma_start3A_80, %dma_start3A_81, %dma_start3A_82] : memref<2x1024x64xbf16, #tpu.memory_space<vmem>> -> memref<1x1024x64xbf16, #tpu.memory_space<vmem>>
    %dma_start3A_84 = tpu.memref_squeeze %dma_start3A_83 : memref<1x1024x64xbf16, #tpu.memory_space<vmem>> -> memref<1024x64xbf16, #tpu.memory_space<vmem>>
    %dma_start3A_85 = arith.constant 640 : i32
    %dma_start3A_86 = arith.constant 0 : i32
    %dma_start3A_87 = tpu.memref_slice %dma_start3A_84[%dma_start3A_85, %dma_start3A_86] : memref<1024x64xbf16, #tpu.memory_space<vmem>> -> memref<128x64xbf16, #tpu.memory_space<vmem>>
    %dma_start3A_88 = arith.constant 0 : i32
    %dma_start3A_89 = tpu.memref_slice %arg5[%dma_start3A_79, %dma_start3A_88] : memref<80x128xi32, #tpu.memory_space<vmem>> -> memref<1x128xi32, #tpu.memory_space<vmem>>
    %dma_start3A_90 = tpu.memref_squeeze %dma_start3A_89 : memref<1x128xi32, #tpu.memory_space<vmem>> -> memref<128xi32, #tpu.memory_space<vmem>>
    %dma_start3A_91 = arith.constant 0 : i32
    %dma_start3A_92 = arith.constant 0 : i32
    %dma_start3A_93 = tpu.memref_slice %arg8[%dma_start3A_91, %dma_start3A_92] : memref<10000x64xbf16, #tpu.memory_space<vmem_shared>> -> memref<10000x64xbf16, #tpu.memory_space<vmem_shared>>
    tpu.enqueue_indirect_dma source(%dma_start3A_93 : memref<10000x64xbf16, #tpu.memory_space<vmem_shared>>) target(%dma_start3A_87 : memref<128x64xbf16, #tpu.memory_space<vmem>>) offsets(%dma_start3A_90 : memref<128xi32, #tpu.memory_space<vmem>>) semaphore(%arg9 : memref<!tpu.dma_semaphore, #tpu.memory_space<semaphore_mem>>)
    %dma_start3A_94 = arith.constant 6 : i32
    %dma_start3A_95 = arith.constant 0 : i32
    %dma_start3A_96 = arith.constant 0 : i32
    %dma_start3A_97 = arith.constant 0 : i32
    %dma_start3A_98 = tpu.memref_slice %arg6[%dma_start3A_95, %dma_start3A_96, %dma_start3A_97] : memref<2x1024x64xbf16, #tpu.memory_space<vmem>> -> memref<1x1024x64xbf16, #tpu.memory_space<vmem>>
    %dma_start3A_99 = tpu.memref_squeeze %dma_start3A_98 : memref<1x1024x64xbf16, #tpu.memory_space<vmem>> -> memref<1024x64xbf16, #tpu.memory_space<vmem>>
    %dma_start3A_100 = arith.constant 768 : i32
    %dma_start3A_101 = arith.constant 0 : i32
    %dma_start3A_102 = tpu.memref_slice %dma_start3A_99[%dma_start3A_100, %dma_start3A_101] : memref<1024x64xbf16, #tpu.memory_space<vmem>> -> memref<128x64xbf16, #tpu.memory_space<vmem>>
    %dma_start3A_103 = arith.constant 0 : i32
    %dma_start3A_104 = tpu.memref_slice %arg5[%dma_start3A_94, %dma_start3A_103] : memref<80x128xi32, #tpu.memory_space<vmem>> -> memref<1x128xi32, #tpu.memory_space<vmem>>
    %dma_start3A_105 = tpu.memref_squeeze %dma_start3A_104 : memref<1x128xi32, #tpu.memory_space<vmem>> -> memref<128xi32, #tpu.memory_space<vmem>>
    %dma_start3A_106 = arith.constant 0 : i32
    %dma_start3A_107 = arith.constant 0 : i32
    %dma_start3A_108 = tpu.memref_slice %arg8[%dma_start3A_106, %dma_start3A_107] : memref<10000x64xbf16, #tpu.memory_space<vmem_shared>> -> memref<10000x64xbf16, #tpu.memory_space<vmem_shared>>
    tpu.enqueue_indirect_dma source(%dma_start3A_108 : memref<10000x64xbf16, #tpu.memory_space<vmem_shared>>) target(%dma_start3A_102 : memref<128x64xbf16, #tpu.memory_space<vmem>>) offsets(%dma_start3A_105 : memref<128xi32, #tpu.memory_space<vmem>>) semaphore(%arg9 : memref<!tpu.dma_semaphore, #tpu.memory_space<semaphore_mem>>)
    %dma_start3A_109 = arith.constant 7 : i32
    %dma_start3A_110 = arith.constant 0 : i32
    %dma_start3A_111 = arith.constant 0 : i32
    %dma_start3A_112 = arith.constant 0 : i32
    %dma_start3A_113 = tpu.memref_slice %arg6[%dma_start3A_110, %dma_start3A_111, %dma_start3A_112] : memref<2x1024x64xbf16, #tpu.memory_space<vmem>> -> memref<1x1024x64xbf16, #tpu.memory_space<vmem>>
    %dma_start3A_114 = tpu.memref_squeeze %dma_start3A_113 : memref<1x1024x64xbf16, #tpu.memory_space<vmem>> -> memref<1024x64xbf16, #tpu.memory_space<vmem>>
    %dma_start3A_115 = arith.constant 896 : i32
    %dma_start3A_116 = arith.constant 0 : i32
    %dma_start3A_117 = tpu.memref_slice %dma_start3A_114[%dma_start3A_115, %dma_start3A_116] : memref<1024x64xbf16, #tpu.memory_space<vmem>> -> memref<128x64xbf16, #tpu.memory_space<vmem>>
    %dma_start3A_118 = arith.constant 0 : i32
    %dma_start3A_119 = tpu.memref_slice %arg5[%dma_start3A_109, %dma_start3A_118] : memref<80x128xi32, #tpu.memory_space<vmem>> -> memref<1x128xi32, #tpu.memory_space<vmem>>
    %dma_start3A_120 = tpu.memref_squeeze %dma_start3A_119 : memref<1x128xi32, #tpu.memory_space<vmem>> -> memref<128xi32, #tpu.memory_space<vmem>>
    %dma_start3A_121 = arith.constant 0 : i32
    %dma_start3A_122 = arith.constant 0 : i32
    %dma_start3A_123 = tpu.memref_slice %arg8[%dma_start3A_121, %dma_start3A_122] : memref<10000x64xbf16, #tpu.memory_space<vmem_shared>> -> memref<10000x64xbf16, #tpu.memory_space<vmem_shared>>
    tpu.enqueue_indirect_dma source(%dma_start3A_123 : memref<10000x64xbf16, #tpu.memory_space<vmem_shared>>) target(%dma_start3A_117 : memref<128x64xbf16, #tpu.memory_space<vmem>>) offsets(%dma_start3A_120 : memref<128xi32, #tpu.memory_space<vmem>>) semaphore(%arg9 : memref<!tpu.dma_semaphore, #tpu.memory_space<semaphore_mem>>)
    %scan3A = arith.constant 0 : i32
    %scan3A_124 = arith.constant 0 : i32
    %scan3A_125 = arith.constant 5 : i32
    %scan3A_126 = arith.addi %scan3A_124, %scan3A_125 : i32
    %scan3A_127 = arith.constant 1 : i32
    scf.for %scan3A_131 = %scan3A_124 to %scan3A_126 step %scan3A_127  : i32 {
      %mul3A_132 = arith.constant 2 : i32
      %mul3A_133 = arith.muli %scan3A_131, %mul3A_132 : i32
      %add3A_134 = arith.constant 1 : i32
      %add3A_135 = arith.addi %mul3A_133, %add3A_134 : i32
      %mul3A_136 = arith.constant 8 : i32
      %mul3A_137 = arith.muli %add3A_135, %mul3A_136 : i32
      %add3A_138 = arith.constant 0 : i32
      %add3A_139 = arith.addi %mul3A_137, %add3A_138 : i32
      %dma_start3A_140 = arith.constant 1 : i32
      %dma_start3A_141 = arith.constant 0 : i32
      %dma_start3A_142 = arith.constant 0 : i32
      %dma_start3A_143 = tpu.memref_slice %arg6[%dma_start3A_140, %dma_start3A_141, %dma_start3A_142] : memref<2x1024x64xbf16, #tpu.memory_space<vmem>> -> memref<1x1024x64xbf16, #tpu.memory_space<vmem>>
      %dma_start3A_144 = tpu.memref_squeeze %dma_start3A_143 : memref<1x1024x64xbf16, #tpu.memory_space<vmem>> -> memref<1024x64xbf16, #tpu.memory_space<vmem>>
      %dma_start3A_145 = arith.constant 0 : i32
      %dma_start3A_146 = arith.constant 0 : i32
      %dma_start3A_147 = tpu.memref_slice %dma_start3A_144[%dma_start3A_145, %dma_start3A_146] : memref<1024x64xbf16, #tpu.memory_space<vmem>> -> memref<128x64xbf16, #tpu.memory_space<vmem>>
      %dma_start3A_148 = arith.constant 0 : i32
      %dma_start3A_149 = tpu.memref_slice %arg5[%add3A_139, %dma_start3A_148] : memref<80x128xi32, #tpu.memory_space<vmem>> -> memref<1x128xi32, #tpu.memory_space<vmem>>
      %dma_start3A_150 = tpu.memref_squeeze %dma_start3A_149 : memref<1x128xi32, #tpu.memory_space<vmem>> -> memref<128xi32, #tpu.memory_space<vmem>>
      %dma_start3A_151 = arith.constant 0 : i32
      %dma_start3A_152 = arith.constant 0 : i32
      %dma_start3A_153 = tpu.memref_slice %arg8[%dma_start3A_151, %dma_start3A_152] : memref<10000x64xbf16, #tpu.memory_space<vmem_shared>> -> memref<10000x64xbf16, #tpu.memory_space<vmem_shared>>
      tpu.enqueue_indirect_dma source(%dma_start3A_153 : memref<10000x64xbf16, #tpu.memory_space<vmem_shared>>) target(%dma_start3A_147 : memref<128x64xbf16, #tpu.memory_space<vmem>>) offsets(%dma_start3A_150 : memref<128xi32, #tpu.memory_space<vmem>>) semaphore(%arg10 : memref<!tpu.dma_semaphore, #tpu.memory_space<semaphore_mem>>)
      %mul3A_154 = arith.constant 8 : i32
      %mul3A_155 = arith.muli %add3A_135, %mul3A_154 : i32
      %add3A_156 = arith.constant 1 : i32
      %add3A_157 = arith.addi %mul3A_155, %add3A_156 : i32
      %dma_start3A_158 = arith.constant 1 : i32
      %dma_start3A_159 = arith.constant 0 : i32
      %dma_start3A_160 = arith.constant 0 : i32
      %dma_start3A_161 = tpu.memref_slice %arg6[%dma_start3A_158, %dma_start3A_159, %dma_start3A_160] : memref<2x1024x64xbf16, #tpu.memory_space<vmem>> -> memref<1x1024x64xbf16, #tpu.memory_space<vmem>>
      %dma_start3A_162 = tpu.memref_squeeze %dma_start3A_161 : memref<1x1024x64xbf16, #tpu.memory_space<vmem>> -> memref<1024x64xbf16, #tpu.memory_space<vmem>>
      %dma_start3A_163 = arith.constant 128 : i32
      %dma_start3A_164 = arith.constant 0 : i32
      %dma_start3A_165 = tpu.memref_slice %dma_start3A_162[%dma_start3A_163, %dma_start3A_164] : memref<1024x64xbf16, #tpu.memory_space<vmem>> -> memref<128x64xbf16, #tpu.memory_space<vmem>>
      %dma_start3A_166 = arith.constant 0 : i32
      %dma_start3A_167 = tpu.memref_slice %arg5[%add3A_157, %dma_start3A_166] : memref<80x128xi32, #tpu.memory_space<vmem>> -> memref<1x128xi32, #tpu.memory_space<vmem>>
      %dma_start3A_168 = tpu.memref_squeeze %dma_start3A_167 : memref<1x128xi32, #tpu.memory_space<vmem>> -> memref<128xi32, #tpu.memory_space<vmem>>
      %dma_start3A_169 = arith.constant 0 : i32
      %dma_start3A_170 = arith.constant 0 : i32
      %dma_start3A_171 = tpu.memref_slice %arg8[%dma_start3A_169, %dma_start3A_170] : memref<10000x64xbf16, #tpu.memory_space<vmem_shared>> -> memref<10000x64xbf16, #tpu.memory_space<vmem_shared>>
      tpu.enqueue_indirect_dma source(%dma_start3A_171 : memref<10000x64xbf16, #tpu.memory_space<vmem_shared>>) target(%dma_start3A_165 : memref<128x64xbf16, #tpu.memory_space<vmem>>) offsets(%dma_start3A_168 : memref<128xi32, #tpu.memory_space<vmem>>) semaphore(%arg10 : memref<!tpu.dma_semaphore, #tpu.memory_space<semaphore_mem>>)
      %mul3A_172 = arith.constant 8 : i32
      %mul3A_173 = arith.muli %add3A_135, %mul3A_172 : i32
      %add3A_174 = arith.constant 2 : i32
      %add3A_175 = arith.addi %mul3A_173, %add3A_174 : i32
      %dma_start3A_176 = arith.constant 1 : i32
      %dma_start3A_177 = arith.constant 0 : i32
      %dma_start3A_178 = arith.constant 0 : i32
      %dma_start3A_179 = tpu.memref_slice %arg6[%dma_start3A_176, %dma_start3A_177, %dma_start3A_178] : memref<2x1024x64xbf16, #tpu.memory_space<vmem>> -> memref<1x1024x64xbf16, #tpu.memory_space<vmem>>
      %dma_start3A_180 = tpu.memref_squeeze %dma_start3A_179 : memref<1x1024x64xbf16, #tpu.memory_space<vmem>> -> memref<1024x64xbf16, #tpu.memory_space<vmem>>
      %dma_start3A_181 = arith.constant 256 : i32
      %dma_start3A_182 = arith.constant 0 : i32
      %dma_start3A_183 = tpu.memref_slice %dma_start3A_180[%dma_start3A_181, %dma_start3A_182] : memref<1024x64xbf16, #tpu.memory_space<vmem>> -> memref<128x64xbf16, #tpu.memory_space<vmem>>
      %dma_start3A_184 = arith.constant 0 : i32
      %dma_start3A_185 = tpu.memref_slice %arg5[%add3A_175, %dma_start3A_184] : memref<80x128xi32, #tpu.memory_space<vmem>> -> memref<1x128xi32, #tpu.memory_space<vmem>>
      %dma_start3A_186 = tpu.memref_squeeze %dma_start3A_185 : memref<1x128xi32, #tpu.memory_space<vmem>> -> memref<128xi32, #tpu.memory_space<vmem>>
      %dma_start3A_187 = arith.constant 0 : i32
      %dma_start3A_188 = arith.constant 0 : i32
      %dma_start3A_189 = tpu.memref_slice %arg8[%dma_start3A_187, %dma_start3A_188] : memref<10000x64xbf16, #tpu.memory_space<vmem_shared>> -> memref<10000x64xbf16, #tpu.memory_space<vmem_shared>>
      tpu.enqueue_indirect_dma source(%dma_start3A_189 : memref<10000x64xbf16, #tpu.memory_space<vmem_shared>>) target(%dma_start3A_183 : memref<128x64xbf16, #tpu.memory_space<vmem>>) offsets(%dma_start3A_186 : memref<128xi32, #tpu.memory_space<vmem>>) semaphore(%arg10 : memref<!tpu.dma_semaphore, #tpu.memory_space<semaphore_mem>>)
      %mul3A_190 = arith.constant 8 : i32
      %mul3A_191 = arith.muli %add3A_135, %mul3A_190 : i32
      %add3A_192 = arith.constant 3 : i32
      %add3A_193 = arith.addi %mul3A_191, %add3A_192 : i32
      %dma_start3A_194 = arith.constant 1 : i32
      %dma_start3A_195 = arith.constant 0 : i32
      %dma_start3A_196 = arith.constant 0 : i32
      %dma_start3A_197 = tpu.memref_slice %arg6[%dma_start3A_194, %dma_start3A_195, %dma_start3A_196] : memref<2x1024x64xbf16, #tpu.memory_space<vmem>> -> memref<1x1024x64xbf16, #tpu.memory_space<vmem>>
      %dma_start3A_198 = tpu.memref_squeeze %dma_start3A_197 : memref<1x1024x64xbf16, #tpu.memory_space<vmem>> -> memref<1024x64xbf16, #tpu.memory_space<vmem>>
      %dma_start3A_199 = arith.constant 384 : i32
      %dma_start3A_200 = arith.constant 0 : i32
      %dma_start3A_201 = tpu.memref_slice %dma_start3A_198[%dma_start3A_199, %dma_start3A_200] : memref<1024x64xbf16, #tpu.memory_space<vmem>> -> memref<128x64xbf16, #tpu.memory_space<vmem>>
      %dma_start3A_202 = arith.constant 0 : i32
      %dma_start3A_203 = tpu.memref_slice %arg5[%add3A_193, %dma_start3A_202] : memref<80x128xi32, #tpu.memory_space<vmem>> -> memref<1x128xi32, #tpu.memory_space<vmem>>
      %dma_start3A_204 = tpu.memref_squeeze %dma_start3A_203 : memref<1x128xi32, #tpu.memory_space<vmem>> -> memref<128xi32, #tpu.memory_space<vmem>>
      %dma_start3A_205 = arith.constant 0 : i32
      %dma_start3A_206 = arith.constant 0 : i32
      %dma_start3A_207 = tpu.memref_slice %arg8[%dma_start3A_205, %dma_start3A_206] : memref<10000x64xbf16, #tpu.memory_space<vmem_shared>> -> memref<10000x64xbf16, #tpu.memory_space<vmem_shared>>
      tpu.enqueue_indirect_dma source(%dma_start3A_207 : memref<10000x64xbf16, #tpu.memory_space<vmem_shared>>) target(%dma_start3A_201 : memref<128x64xbf16, #tpu.memory_space<vmem>>) offsets(%dma_start3A_204 : memref<128xi32, #tpu.memory_space<vmem>>) semaphore(%arg10 : memref<!tpu.dma_semaphore, #tpu.memory_space<semaphore_mem>>)
      %mul3A_208 = arith.constant 8 : i32
      %mul3A_209 = arith.muli %add3A_135, %mul3A_208 : i32
      %add3A_210 = arith.constant 4 : i32
      %add3A_211 = arith.addi %mul3A_209, %add3A_210 : i32
      %dma_start3A_212 = arith.constant 1 : i32
      %dma_start3A_213 = arith.constant 0 : i32
      %dma_start3A_214 = arith.constant 0 : i32
      %dma_start3A_215 = tpu.memref_slice %arg6[%dma_start3A_212, %dma_start3A_213, %dma_start3A_214] : memref<2x1024x64xbf16, #tpu.memory_space<vmem>> -> memref<1x1024x64xbf16, #tpu.memory_space<vmem>>
      %dma_start3A_216 = tpu.memref_squeeze %dma_start3A_215 : memref<1x1024x64xbf16, #tpu.memory_space<vmem>> -> memref<1024x64xbf16, #tpu.memory_space<vmem>>
      %dma_start3A_217 = arith.constant 512 : i32
      %dma_start3A_218 = arith.constant 0 : i32
      %dma_start3A_219 = tpu.memref_slice %dma_start3A_216[%dma_start3A_217, %dma_start3A_218] : memref<1024x64xbf16, #tpu.memory_space<vmem>> -> memref<128x64xbf16, #tpu.memory_space<vmem>>
      %dma_start3A_220 = arith.constant 0 : i32
      %dma_start3A_221 = tpu.memref_slice %arg5[%add3A_211, %dma_start3A_220] : memref<80x128xi32, #tpu.memory_space<vmem>> -> memref<1x128xi32, #tpu.memory_space<vmem>>
      %dma_start3A_222 = tpu.memref_squeeze %dma_start3A_221 : memref<1x128xi32, #tpu.memory_space<vmem>> -> memref<128xi32, #tpu.memory_space<vmem>>
      %dma_start3A_223 = arith.constant 0 : i32
      %dma_start3A_224 = arith.constant 0 : i32
      %dma_start3A_225 = tpu.memref_slice %arg8[%dma_start3A_223, %dma_start3A_224] : memref<10000x64xbf16, #tpu.memory_space<vmem_shared>> -> memref<10000x64xbf16, #tpu.memory_space<vmem_shared>>
      tpu.enqueue_indirect_dma source(%dma_start3A_225 : memref<10000x64xbf16, #tpu.memory_space<vmem_shared>>) target(%dma_start3A_219 : memref<128x64xbf16, #tpu.memory_space<vmem>>) offsets(%dma_start3A_222 : memref<128xi32, #tpu.memory_space<vmem>>) semaphore(%arg10 : memref<!tpu.dma_semaphore, #tpu.memory_space<semaphore_mem>>)
      %mul3A_226 = arith.constant 8 : i32
      %mul3A_227 = arith.muli %add3A_135, %mul3A_226 : i32
      %add3A_228 = arith.constant 5 : i32
      %add3A_229 = arith.addi %mul3A_227, %add3A_228 : i32
      %dma_start3A_230 = arith.constant 1 : i32
      %dma_start3A_231 = arith.constant 0 : i32
      %dma_start3A_232 = arith.constant 0 : i32
      %dma_start3A_233 = tpu.memref_slice %arg6[%dma_start3A_230, %dma_start3A_231, %dma_start3A_232] : memref<2x1024x64xbf16, #tpu.memory_space<vmem>> -> memref<1x1024x64xbf16, #tpu.memory_space<vmem>>
      %dma_start3A_234 = tpu.memref_squeeze %dma_start3A_233 : memref<1x1024x64xbf16, #tpu.memory_space<vmem>> -> memref<1024x64xbf16, #tpu.memory_space<vmem>>
      %dma_start3A_235 = arith.constant 640 : i32
      %dma_start3A_236 = arith.constant 0 : i32
      %dma_start3A_237 = tpu.memref_slice %dma_start3A_234[%dma_start3A_235, %dma_start3A_236] : memref<1024x64xbf16, #tpu.memory_space<vmem>> -> memref<128x64xbf16, #tpu.memory_space<vmem>>
      %dma_start3A_238 = arith.constant 0 : i32
      %dma_start3A_239 = tpu.memref_slice %arg5[%add3A_229, %dma_start3A_238] : memref<80x128xi32, #tpu.memory_space<vmem>> -> memref<1x128xi32, #tpu.memory_space<vmem>>
      %dma_start3A_240 = tpu.memref_squeeze %dma_start3A_239 : memref<1x128xi32, #tpu.memory_space<vmem>> -> memref<128xi32, #tpu.memory_space<vmem>>
      %dma_start3A_241 = arith.constant 0 : i32
      %dma_start3A_242 = arith.constant 0 : i32
      %dma_start3A_243 = tpu.memref_slice %arg8[%dma_start3A_241, %dma_start3A_242] : memref<10000x64xbf16, #tpu.memory_space<vmem_shared>> -> memref<10000x64xbf16, #tpu.memory_space<vmem_shared>>
      tpu.enqueue_indirect_dma source(%dma_start3A_243 : memref<10000x64xbf16, #tpu.memory_space<vmem_shared>>) target(%dma_start3A_237 : memref<128x64xbf16, #tpu.memory_space<vmem>>) offsets(%dma_start3A_240 : memref<128xi32, #tpu.memory_space<vmem>>) semaphore(%arg10 : memref<!tpu.dma_semaphore, #tpu.memory_space<semaphore_mem>>)
      %mul3A_244 = arith.constant 8 : i32
      %mul3A_245 = arith.muli %add3A_135, %mul3A_244 : i32
      %add3A_246 = arith.constant 6 : i32
      %add3A_247 = arith.addi %mul3A_245, %add3A_246 : i32
      %dma_start3A_248 = arith.constant 1 : i32
      %dma_start3A_249 = arith.constant 0 : i32
      %dma_start3A_250 = arith.constant 0 : i32
      %dma_start3A_251 = tpu.memref_slice %arg6[%dma_start3A_248, %dma_start3A_249, %dma_start3A_250] : memref<2x1024x64xbf16, #tpu.memory_space<vmem>> -> memref<1x1024x64xbf16, #tpu.memory_space<vmem>>
      %dma_start3A_252 = tpu.memref_squeeze %dma_start3A_251 : memref<1x1024x64xbf16, #tpu.memory_space<vmem>> -> memref<1024x64xbf16, #tpu.memory_space<vmem>>
      %dma_start3A_253 = arith.constant 768 : i32
      %dma_start3A_254 = arith.constant 0 : i32
      %dma_start3A_255 = tpu.memref_slice %dma_start3A_252[%dma_start3A_253, %dma_start3A_254] : memref<1024x64xbf16, #tpu.memory_space<vmem>> -> memref<128x64xbf16, #tpu.memory_space<vmem>>
      %dma_start3A_256 = arith.constant 0 : i32
      %dma_start3A_257 = tpu.memref_slice %arg5[%add3A_247, %dma_start3A_256] : memref<80x128xi32, #tpu.memory_space<vmem>> -> memref<1x128xi32, #tpu.memory_space<vmem>>
      %dma_start3A_258 = tpu.memref_squeeze %dma_start3A_257 : memref<1x128xi32, #tpu.memory_space<vmem>> -> memref<128xi32, #tpu.memory_space<vmem>>
      %dma_start3A_259 = arith.constant 0 : i32
      %dma_start3A_260 = arith.constant 0 : i32
      %dma_start3A_261 = tpu.memref_slice %arg8[%dma_start3A_259, %dma_start3A_260] : memref<10000x64xbf16, #tpu.memory_space<vmem_shared>> -> memref<10000x64xbf16, #tpu.memory_space<vmem_shared>>
      tpu.enqueue_indirect_dma source(%dma_start3A_261 : memref<10000x64xbf16, #tpu.memory_space<vmem_shared>>) target(%dma_start3A_255 : memref<128x64xbf16, #tpu.memory_space<vmem>>) offsets(%dma_start3A_258 : memref<128xi32, #tpu.memory_space<vmem>>) semaphore(%arg10 : memref<!tpu.dma_semaphore, #tpu.memory_space<semaphore_mem>>)
      %mul3A_262 = arith.constant 8 : i32
      %mul3A_263 = arith.muli %add3A_135, %mul3A_262 : i32
      %add3A_264 = arith.constant 7 : i32
      %add3A_265 = arith.addi %mul3A_263, %add3A_264 : i32
      %dma_start3A_266 = arith.constant 1 : i32
      %dma_start3A_267 = arith.constant 0 : i32
      %dma_start3A_268 = arith.constant 0 : i32
      %dma_start3A_269 = tpu.memref_slice %arg6[%dma_start3A_266, %dma_start3A_267, %dma_start3A_268] : memref<2x1024x64xbf16, #tpu.memory_space<vmem>> -> memref<1x1024x64xbf16, #tpu.memory_space<vmem>>
      %dma_start3A_270 = tpu.memref_squeeze %dma_start3A_269 : memref<1x1024x64xbf16, #tpu.memory_space<vmem>> -> memref<1024x64xbf16, #tpu.memory_space<vmem>>
      %dma_start3A_271 = arith.constant 896 : i32
      %dma_start3A_272 = arith.constant 0 : i32
      %dma_start3A_273 = tpu.memref_slice %dma_start3A_270[%dma_start3A_271, %dma_start3A_272] : memref<1024x64xbf16, #tpu.memory_space<vmem>> -> memref<128x64xbf16, #tpu.memory_space<vmem>>
      %dma_start3A_274 = arith.constant 0 : i32
      %dma_start3A_275 = tpu.memref_slice %arg5[%add3A_265, %dma_start3A_274] : memref<80x128xi32, #tpu.memory_space<vmem>> -> memref<1x128xi32, #tpu.memory_space<vmem>>
      %dma_start3A_276 = tpu.memref_squeeze %dma_start3A_275 : memref<1x128xi32, #tpu.memory_space<vmem>> -> memref<128xi32, #tpu.memory_space<vmem>>
      %dma_start3A_277 = arith.constant 0 : i32
      %dma_start3A_278 = arith.constant 0 : i32
      %dma_start3A_279 = tpu.memref_slice %arg8[%dma_start3A_277, %dma_start3A_278] : memref<10000x64xbf16, #tpu.memory_space<vmem_shared>> -> memref<10000x64xbf16, #tpu.memory_space<vmem_shared>>
      tpu.enqueue_indirect_dma source(%dma_start3A_279 : memref<10000x64xbf16, #tpu.memory_space<vmem_shared>>) target(%dma_start3A_273 : memref<128x64xbf16, #tpu.memory_space<vmem>>) offsets(%dma_start3A_276 : memref<128xi32, #tpu.memory_space<vmem>>) semaphore(%arg10 : memref<!tpu.dma_semaphore, #tpu.memory_space<semaphore_mem>>)
      %dma_wait3A = arith.constant 0 : i32
      %dma_wait3A_280 = arith.constant 0 : i32
      %dma_wait3A_281 = arith.constant 0 : i32
      %dma_wait3A_282 = tpu.memref_slice %arg6[%dma_wait3A, %dma_wait3A_280, %dma_wait3A_281] : memref<2x1024x64xbf16, #tpu.memory_space<vmem>> -> memref<1x1024x64xbf16, #tpu.memory_space<vmem>>
      %dma_wait3A_283 = tpu.memref_squeeze %dma_wait3A_282 : memref<1x1024x64xbf16, #tpu.memory_space<vmem>> -> memref<1024x64xbf16, #tpu.memory_space<vmem>>
      %dma_wait3A_284 = arith.constant 0 : i32
      %dma_wait3A_285 = arith.constant 0 : i32
      %dma_wait3A_286 = tpu.memref_slice %arg2[%dma_wait3A_284, %dma_wait3A_285] : memref<10000x64xbf16, #tpu.memory_space<hbm>> -> memref<1024x64xbf16, #tpu.memory_space<hbm>>
      %dma_wait3A_287 = arith.constant 0 : i32
      %dma_wait3A_288 = arith.constant 0 : i32
      %dma_wait3A_289 = tpu.memref_slice %arg6[%dma_wait3A, %dma_wait3A_287, %dma_wait3A_288] : memref<2x1024x64xbf16, #tpu.memory_space<vmem>> -> memref<1x1024x64xbf16, #tpu.memory_space<vmem>>
      %dma_wait3A_290 = tpu.memref_squeeze %dma_wait3A_289 : memref<1x1024x64xbf16, #tpu.memory_space<vmem>> -> memref<1024x64xbf16, #tpu.memory_space<vmem>>
      %dma_wait3A_291 = arith.constant 0 : i32
      %dma_wait3A_292 = arith.constant 0 : i32
      %dma_wait3A_293 = tpu.memref_slice %arg2[%dma_wait3A_291, %dma_wait3A_292] : memref<10000x64xbf16, #tpu.memory_space<hbm>> -> memref<1024x64xbf16, #tpu.memory_space<hbm>>
      tpu.wait_dma2 semaphore(%arg9 : memref<!tpu.dma_semaphore, #tpu.memory_space<semaphore_mem>>) src(%dma_wait3A_293 : memref<1024x64xbf16, #tpu.memory_space<hbm>>) dst(%dma_wait3A_290 : memref<1024x64xbf16, #tpu.memory_space<vmem>>)
      %scan3A_294 = arith.constant 0 : i32
      %scan3A_295 = arith.constant 0 : i32
      %scan3A_296 = arith.constant 32 : i32
      %scan3A_297 = arith.addi %scan3A_295, %scan3A_296 : i32
      %scan3A_298 = arith.constant 1 : i32
      scf.for %scan3A_329 = %scan3A_295 to %scan3A_297 step %scan3A_298  : i32 {
        %mul3A_330 = arith.constant 32 : i32
        %mul3A_331 = arith.muli %scan3A_329, %mul3A_330 : i32
        %add3A_332 = arith.constant 0 : i32
        %add3A_333 = arith.addi %mul3A_331, %add3A_332 : i32
        %get3A = arith.constant 0 : i32
        %get3A_334 = arith.index_cast %get3A : i32 to index
        %get3A_335 = arith.index_cast %add3A_333 : i32 to index
        %get3A_336 = arith.constant 0 : index
        %get3A_337 = tpu.vector_load %arg6[%get3A_334, %get3A_335, %get3A_336] {strides = array<i32>} : memref<2x1024x64xbf16, #tpu.memory_space<vmem>>, vector<1x1x32xbf16>,
        %get3A_338 = vector.shape_cast %get3A_337 : vector<1x1x32xbf16> to vector<32xbf16>
        %add3A_339 = arith.constant 0 : i32
        %add3A_340 = arith.addi %mul3A_331, %add3A_339 : i32
        %get3A_341 = arith.constant 0 : i32
        %get3A_342 = arith.index_cast %get3A_341 : i32 to index
        %get3A_343 = arith.index_cast %add3A_340 : i32 to index
        %get3A_344 = arith.constant 32 : index
        %get3A_345 = tpu.vector_load %arg6[%get3A_342, %get3A_343, %get3A_344] {strides = array<i32>} : memref<2x1024x64xbf16, #tpu.memory_space<vmem>>, vector<1x1x32xbf16>,
        %get3A_346 = vector.shape_cast %get3A_345 : vector<1x1x32xbf16> to vector<32xbf16>
        %add3A_347 = arith.constant 1 : i32
        %add3A_348 = arith.addi %mul3A_331, %add3A_347 : i32
        %get3A_349 = arith.constant 0 : i32
        %get3A_350 = arith.index_cast %get3A_349 : i32 to index
        %get3A_351 = arith.index_cast %add3A_348 : i32 to index
        %get3A_352 = arith.constant 0 : index
        %get3A_353 = tpu.vector_load %arg6[%get3A_350, %get3A_351, %get3A_352] {strides = array<i32>} : memref<2x1024x64xbf16, #tpu.memory_space<vmem>>, vector<1x1x32xbf16>,
        %get3A_354 = vector.shape_cast %get3A_353 : vector<1x1x32xbf16> to vector<32xbf16>
        %add3A_355 = arith.constant 1 : i32
        %add3A_356 = arith.addi %mul3A_331, %add3A_355 : i32
        %get3A_357 = arith.constant 0 : i32
        %get3A_358 = arith.index_cast %get3A_357 : i32 to index
        %get3A_359 = arith.index_cast %add3A_356 : i32 to index
        %get3A_360 = arith.constant 32 : index
        %get3A_361 = tpu.vector_load %arg6[%get3A_358, %get3A_359, %get3A_360] {strides = array<i32>} : memref<2x1024x64xbf16, #tpu.memory_space<vmem>>, vector<1x1x32xbf16>,
        %get3A_362 = vector.shape_cast %get3A_361 : vector<1x1x32xbf16> to vector<32xbf16>
        %add3A_363 = arith.constant 2 : i32
        %add3A_364 = arith.addi %mul3A_331, %add3A_363 : i32
        %get3A_365 = arith.constant 0 : i32
        %get3A_366 = arith.index_cast %get3A_365 : i32 to index
        %get3A_367 = arith.index_cast %add3A_364 : i32 to index
        %get3A_368 = arith.constant 0 : index
        %get3A_369 = tpu.vector_load %arg6[%get3A_366, %get3A_367, %get3A_368] {strides = array<i32>} : memref<2x1024x64xbf16, #tpu.memory_space<vmem>>, vector<1x1x32xbf16>,
        %get3A_370 = vector.shape_cast %get3A_369 : vector<1x1x32xbf16> to vector<32xbf16>
        %add3A_371 = arith.constant 2 : i32
        %add3A_372 = arith.addi %mul3A_331, %add3A_371 : i32
        %get3A_373 = arith.constant 0 : i32
        %get3A_374 = arith.index_cast %get3A_373 : i32 to index
        %get3A_375 = arith.index_cast %add3A_372 : i32 to index
        %get3A_376 = arith.constant 32 : index
        %get3A_377 = tpu.vector_load %arg6[%get3A_374, %get3A_375, %get3A_376] {strides = array<i32>} : memref<2x1024x64xbf16, #tpu.memory_space<vmem>>, vector<1x1x32xbf16>,
        %get3A_378 = vector.shape_cast %get3A_377 : vector<1x1x32xbf16> to vector<32xbf16>
        %add3A_379 = arith.constant 3 : i32
        %add3A_380 = arith.addi %mul3A_331, %add3A_379 : i32
        %get3A_381 = arith.constant 0 : i32
        %get3A_382 = arith.index_cast %get3A_381 : i32 to index
        %get3A_383 = arith.index_cast %add3A_380 : i32 to index
        %get3A_384 = arith.constant 0 : index
        %get3A_385 = tpu.vector_load %arg6[%get3A_382, %get3A_383, %get3A_384] {strides = array<i32>} : memref<2x1024x64xbf16, #tpu.memory_space<vmem>>, vector<1x1x32xbf16>,
        %get3A_386 = vector.shape_cast %get3A_385 : vector<1x1x32xbf16> to vector<32xbf16>
        %add3A_387 = arith.constant 3 : i32
        %add3A_388 = arith.addi %mul3A_331, %add3A_387 : i32
        %get3A_389 = arith.constant 0 : i32
        %get3A_390 = arith.index_cast %get3A_389 : i32 to index
        %get3A_391 = arith.index_cast %add3A_388 : i32 to index
        %get3A_392 = arith.constant 32 : index
        %get3A_393 = tpu.vector_load %arg6[%get3A_390, %get3A_391, %get3A_392] {strides = array<i32>} : memref<2x1024x64xbf16, #tpu.memory_space<vmem>>, vector<1x1x32xbf16>,
        %get3A_394 = vector.shape_cast %get3A_393 : vector<1x1x32xbf16> to vector<32xbf16>
        %add3A_395 = arith.constant 4 : i32
        %add3A_396 = arith.addi %mul3A_331, %add3A_395 : i32
        %get3A_397 = arith.constant 0 : i32
        %get3A_398 = arith.index_cast %get3A_397 : i32 to index
        %get3A_399 = arith.index_cast %add3A_396 : i32 to index
        %get3A_400 = arith.constant 0 : index
        %get3A_401 = tpu.vector_load %arg6[%get3A_398, %get3A_399, %get3A_400] {strides = array<i32>} : memref<2x1024x64xbf16, #tpu.memory_space<vmem>>, vector<1x1x32xbf16>,
        %get3A_402 = vector.shape_cast %get3A_401 : vector<1x1x32xbf16> to vector<32xbf16>
        %add3A_403 = arith.constant 4 : i32
        %add3A_404 = arith.addi %mul3A_331, %add3A_403 : i32
        %get3A_405 = arith.constant 0 : i32
        %get3A_406 = arith.index_cast %get3A_405 : i32 to index
        %get3A_407 = arith.index_cast %add3A_404 : i32 to index
        %get3A_408 = arith.constant 32 : index
        %get3A_409 = tpu.vector_load %arg6[%get3A_406, %get3A_407, %get3A_408] {strides = array<i32>} : memref<2x1024x64xbf16, #tpu.memory_space<vmem>>, vector<1x1x32xbf16>,
        %get3A_410 = vector.shape_cast %get3A_409 : vector<1x1x32xbf16> to vector<32xbf16>
        %add3A_411 = arith.constant 5 : i32
        %add3A_412 = arith.addi %mul3A_331, %add3A_411 : i32
        %get3A_413 = arith.constant 0 : i32
        %get3A_414 = arith.index_cast %get3A_413 : i32 to index
        %get3A_415 = arith.index_cast %add3A_412 : i32 to index
        %get3A_416 = arith.constant 0 : index
        %get3A_417 = tpu.vector_load %arg6[%get3A_414, %get3A_415, %get3A_416] {strides = array<i32>} : memref<2x1024x64xbf16, #tpu.memory_space<vmem>>, vector<1x1x32xbf16>,
        %get3A_418 = vector.shape_cast %get3A_417 : vector<1x1x32xbf16> to vector<32xbf16>
        %add3A_419 = arith.constant 5 : i32
        %add3A_420 = arith.addi %mul3A_331, %add3A_419 : i32
        %get3A_421 = arith.constant 0 : i32
        %get3A_422 = arith.index_cast %get3A_421 : i32 to index
        %get3A_423 = arith.index_cast %add3A_420 : i32 to index
        %get3A_424 = arith.constant 32 : index
        %get3A_425 = tpu.vector_load %arg6[%get3A_422, %get3A_423, %get3A_424] {strides = array<i32>} : memref<2x1024x64xbf16, #tpu.memory_space<vmem>>, vector<1x1x32xbf16>,
        %get3A_426 = vector.shape_cast %get3A_425 : vector<1x1x32xbf16> to vector<32xbf16>
        %add3A_427 = arith.constant 6 : i32
        %add3A_428 = arith.addi %mul3A_331, %add3A_427 : i32
        %get3A_429 = arith.constant 0 : i32
        %get3A_430 = arith.index_cast %get3A_429 : i32 to index
        %get3A_431 = arith.index_cast %add3A_428 : i32 to index
        %get3A_432 = arith.constant 0 : index
        %get3A_433 = tpu.vector_load %arg6[%get3A_430, %get3A_431, %get3A_432] {strides = array<i32>} : memref<2x1024x64xbf16, #tpu.memory_space<vmem>>, vector<1x1x32xbf16>,
        %get3A_434 = vector.shape_cast %get3A_433 : vector<1x1x32xbf16> to vector<32xbf16>
        %add3A_435 = arith.constant 6 : i32
        %add3A_436 = arith.addi %mul3A_331, %add3A_435 : i32
        %get3A_437 = arith.constant 0 : i32
        %get3A_438 = arith.index_cast %get3A_437 : i32 to index
        %get3A_439 = arith.index_cast %add3A_436 : i32 to index
        %get3A_440 = arith.constant 32 : index
        %get3A_441 = tpu.vector_load %arg6[%get3A_438, %get3A_439, %get3A_440] {strides = array<i32>} : memref<2x1024x64xbf16, #tpu.memory_space<vmem>>, vector<1x1x32xbf16>,
        %get3A_442 = vector.shape_cast %get3A_441 : vector<1x1x32xbf16> to vector<32xbf16>
        %add3A_443 = arith.constant 7 : i32
        %add3A_444 = arith.addi %mul3A_331, %add3A_443 : i32
        %get3A_445 = arith.constant 0 : i32
        %get3A_446 = arith.index_cast %get3A_445 : i32 to index
        %get3A_447 = arith.index_cast %add3A_444 : i32 to index
        %get3A_448 = arith.constant 0 : index
        %get3A_449 = tpu.vector_load %arg6[%get3A_446, %get3A_447, %get3A_448] {strides = array<i32>} : memref<2x1024x64xbf16, #tpu.memory_space<vmem>>, vector<1x1x32xbf16>,
        %get3A_450 = vector.shape_cast %get3A_449 : vector<1x1x32xbf16> to vector<32xbf16>
        %add3A_451 = arith.constant 7 : i32
        %add3A_452 = arith.addi %mul3A_331, %add3A_451 : i32
        %get3A_453 = arith.constant 0 : i32
        %get3A_454 = arith.index_cast %get3A_453 : i32 to index
        %get3A_455 = arith.index_cast %add3A_452 : i32 to index
        %get3A_456 = arith.constant 32 : index
        %get3A_457 = tpu.vector_load %arg6[%get3A_454, %get3A_455, %get3A_456] {strides = array<i32>} : memref<2x1024x64xbf16, #tpu.memory_space<vmem>>, vector<1x1x32xbf16>,
        %get3A_458 = vector.shape_cast %get3A_457 : vector<1x1x32xbf16> to vector<32xbf16>
        %add3A_459 = arith.constant 8 : i32
        %add3A_460 = arith.addi %mul3A_331, %add3A_459 : i32
        %get3A_461 = arith.constant 0 : i32
        %get3A_462 = arith.index_cast %get3A_461 : i32 to index
        %get3A_463 = arith.index_cast %add3A_460 : i32 to index
        %get3A_464 = arith.constant 0 : index
        %get3A_465 = tpu.vector_load %arg6[%get3A_462, %get3A_463, %get3A_464] {strides = array<i32>} : memref<2x1024x64xbf16, #tpu.memory_space<vmem>>, vector<1x1x32xbf16>,
        %get3A_466 = vector.shape_cast %get3A_465 : vector<1x1x32xbf16> to vector<32xbf16>
        %add3A_467 = arith.constant 8 : i32
        %add3A_468 = arith.addi %mul3A_331, %add3A_467 : i32
        %get3A_469 = arith.constant 0 : i32
        %get3A_470 = arith.index_cast %get3A_469 : i32 to index
        %get3A_471 = arith.index_cast %add3A_468 : i32 to index
        %get3A_472 = arith.constant 32 : index
        %get3A_473 = tpu.vector_load %arg6[%get3A_470, %get3A_471, %get3A_472] {strides = array<i32>} : memref<2x1024x64xbf16, #tpu.memory_space<vmem>>, vector<1x1x32xbf16>,
        %get3A_474 = vector.shape_cast %get3A_473 : vector<1x1x32xbf16> to vector<32xbf16>
        %add3A_475 = arith.constant 9 : i32
        %add3A_476 = arith.addi %mul3A_331, %add3A_475 : i32
        %get3A_477 = arith.constant 0 : i32
        %get3A_478 = arith.index_cast %get3A_477 : i32 to index
        %get3A_479 = arith.index_cast %add3A_476 : i32 to index
        %get3A_480 = arith.constant 0 : index
        %get3A_481 = tpu.vector_load %arg6[%get3A_478, %get3A_479, %get3A_480] {strides = array<i32>} : memref<2x1024x64xbf16, #tpu.memory_space<vmem>>, vector<1x1x32xbf16>,
        %get3A_482 = vector.shape_cast %get3A_481 : vector<1x1x32xbf16> to vector<32xbf16>
        %add3A_483 = arith.constant 9 : i32
        %add3A_484 = arith.addi %mul3A_331, %add3A_483 : i32
        %get3A_485 = arith.constant 0 : i32
        %get3A_486 = arith.index_cast %get3A_485 : i32 to index
        %get3A_487 = arith.index_cast %add3A_484 : i32 to index
        %get3A_488 = arith.constant 32 : index
        %get3A_489 = tpu.vector_load %arg6[%get3A_486, %get3A_487, %get3A_488] {strides = array<i32>} : memref<2x1024x64xbf16, #tpu.memory_space<vmem>>, vector<1x1x32xbf16>,
        %get3A_490 = vector.shape_cast %get3A_489 : vector<1x1x32xbf16> to vector<32xbf16>
        %add3A_491 = arith.constant 10 : i32
        %add3A_492 = arith.addi %mul3A_331, %add3A_491 : i32
        %get3A_493 = arith.constant 0 : i32
        %get3A_494 = arith.index_cast %get3A_493 : i32 to index
        %get3A_495 = arith.index_cast %add3A_492 : i32 to index
        %get3A_496 = arith.constant 0 : index
        %get3A_497 = tpu.vector_load %arg6[%get3A_494, %get3A_495, %get3A_496] {strides = array<i32>} : memref<2x1024x64xbf16, #tpu.memory_space<vmem>>, vector<1x1x32xbf16>,
        %get3A_498 = vector.shape_cast %get3A_497 : vector<1x1x32xbf16> to vector<32xbf16>
        %add3A_499 = arith.constant 10 : i32
        %add3A_500 = arith.addi %mul3A_331, %add3A_499 : i32
        %get3A_501 = arith.constant 0 : i32
        %get3A_502 = arith.index_cast %get3A_501 : i32 to index
        %get3A_503 = arith.index_cast %add3A_500 : i32 to index
        %get3A_504 = arith.constant 32 : index
        %get3A_505 = tpu.vector_load %arg6[%get3A_502, %get3A_503, %get3A_504] {strides = array<i32>} : memref<2x1024x64xbf16, #tpu.memory_space<vmem>>, vector<1x1x32xbf16>,
        %get3A_506 = vector.shape_cast %get3A_505 : vector<1x1x32xbf16> to vector<32xbf16>
        %add3A_507 = arith.constant 11 : i32
        %add3A_508 = arith.addi %mul3A_331, %add3A_507 : i32
        %get3A_509 = arith.constant 0 : i32
        %get3A_510 = arith.index_cast %get3A_509 : i32 to index
        %get3A_511 = arith.index_cast %add3A_508 : i32 to index
        %get3A_512 = arith.constant 0 : index
        %get3A_513 = tpu.vector_load %arg6[%get3A_510, %get3A_511, %get3A_512] {strides = array<i32>} : memref<2x1024x64xbf16, #tpu.memory_space<vmem>>, vector<1x1x32xbf16>,
        %get3A_514 = vector.shape_cast %get3A_513 : vector<1x1x32xbf16> to vector<32xbf16>
        %add3A_515 = arith.constant 11 : i32
        %add3A_516 = arith.addi %mul3A_331, %add3A_515 : i32
        %get3A_517 = arith.constant 0 : i32
        %get3A_518 = arith.index_cast %get3A_517 : i32 to index
        %get3A_519 = arith.index_cast %add3A_516 : i32 to index
        %get3A_520 = arith.constant 32 : index
        %get3A_521 = tpu.vector_load %arg6[%get3A_518, %get3A_519, %get3A_520] {strides = array<i32>} : memref<2x1024x64xbf16, #tpu.memory_space<vmem>>, vector<1x1x32xbf16>,
        %get3A_522 = vector.shape_cast %get3A_521 : vector<1x1x32xbf16> to vector<32xbf16>
        %add3A_523 = arith.constant 12 : i32
        %add3A_524 = arith.addi %mul3A_331, %add3A_523 : i32
        %get3A_525 = arith.constant 0 : i32
        %get3A_526 = arith.index_cast %get3A_525 : i32 to index
        %get3A_527 = arith.index_cast %add3A_524 : i32 to index
        %get3A_528 = arith.constant 0 : index
        %get3A_529 = tpu.vector_load %arg6[%get3A_526, %get3A_527, %get3A_528] {strides = array<i32>} : memref<2x1024x64xbf16, #tpu.memory_space<vmem>>, vector<1x1x32xbf16>,
        %get3A_530 = vector.shape_cast %get3A_529 : vector<1x1x32xbf16> to vector<32xbf16>
        %add3A_531 = arith.constant 12 : i32
        %add3A_532 = arith.addi %mul3A_331, %add3A_531 : i32
        %get3A_533 = arith.constant 0 : i32
        %get3A_534 = arith.index_cast %get3A_533 : i32 to index
        %get3A_535 = arith.index_cast %add3A_532 : i32 to index
        %get3A_536 = arith.constant 32 : index
        %get3A_537 = tpu.vector_load %arg6[%get3A_534, %get3A_535, %get3A_536] {strides = array<i32>} : memref<2x1024x64xbf16, #tpu.memory_space<vmem>>, vector<1x1x32xbf16>,
        %get3A_538 = vector.shape_cast %get3A_537 : vector<1x1x32xbf16> to vector<32xbf16>
        %add3A_539 = arith.constant 13 : i32
        %add3A_540 = arith.addi %mul3A_331, %add3A_539 : i32
        %get3A_541 = arith.constant 0 : i32
        %get3A_542 = arith.index_cast %get3A_541 : i32 to index
        %get3A_543 = arith.index_cast %add3A_540 : i32 to index
        %get3A_544 = arith.constant 0 : index
        %get3A_545 = tpu.vector_load %arg6[%get3A_542, %get3A_543, %get3A_544] {strides = array<i32>} : memref<2x1024x64xbf16, #tpu.memory_space<vmem>>, vector<1x1x32xbf16>,
        %get3A_546 = vector.shape_cast %get3A_545 : vector<1x1x32xbf16> to vector<32xbf16>
        %add3A_547 = arith.constant 13 : i32
        %add3A_548 = arith.addi %mul3A_331, %add3A_547 : i32
        %get3A_549 = arith.constant 0 : i32
        %get3A_550 = arith.index_cast %get3A_549 : i32 to index
        %get3A_551 = arith.index_cast %add3A_548 : i32 to index
        %get3A_552 = arith.constant 32 : index
        %get3A_553 = tpu.vector_load %arg6[%get3A_550, %get3A_551, %get3A_552] {strides = array<i32>} : memref<2x1024x64xbf16, #tpu.memory_space<vmem>>, vector<1x1x32xbf16>,
        %get3A_554 = vector.shape_cast %get3A_553 : vector<1x1x32xbf16> to vector<32xbf16>
        %add3A_555 = arith.constant 14 : i32
        %add3A_556 = arith.addi %mul3A_331, %add3A_555 : i32
        %get3A_557 = arith.constant 0 : i32
        %get3A_558 = arith.index_cast %get3A_557 : i32 to index
        %get3A_559 = arith.index_cast %add3A_556 : i32 to index
        %get3A_560 = arith.constant 0 : index
        %get3A_561 = tpu.vector_load %arg6[%get3A_558, %get3A_559, %get3A_560] {strides = array<i32>} : memref<2x1024x64xbf16, #tpu.memory_space<vmem>>, vector<1x1x32xbf16>,
        %get3A_562 = vector.shape_cast %get3A_561 : vector<1x1x32xbf16> to vector<32xbf16>
        %add3A_563 = arith.constant 14 : i32
        %add3A_564 = arith.addi %mul3A_331, %add3A_563 : i32
        %get3A_565 = arith.constant 0 : i32
        %get3A_566 = arith.index_cast %get3A_565 : i32 to index
        %get3A_567 = arith.index_cast %add3A_564 : i32 to index
        %get3A_568 = arith.constant 32 : index
        %get3A_569 = tpu.vector_load %arg6[%get3A_566, %get3A_567, %get3A_568] {strides = array<i32>} : memref<2x1024x64xbf16, #tpu.memory_space<vmem>>, vector<1x1x32xbf16>,
        %get3A_570 = vector.shape_cast %get3A_569 : vector<1x1x32xbf16> to vector<32xbf16>
        %add3A_571 = arith.constant 15 : i32
        %add3A_572 = arith.addi %mul3A_331, %add3A_571 : i32
        %get3A_573 = arith.constant 0 : i32
        %get3A_574 = arith.index_cast %get3A_573 : i32 to index
        %get3A_575 = arith.index_cast %add3A_572 : i32 to index
        %get3A_576 = arith.constant 0 : index
        %get3A_577 = tpu.vector_load %arg6[%get3A_574, %get3A_575, %get3A_576] {strides = array<i32>} : memref<2x1024x64xbf16, #tpu.memory_space<vmem>>, vector<1x1x32xbf16>,
        %get3A_578 = vector.shape_cast %get3A_577 : vector<1x1x32xbf16> to vector<32xbf16>
        %add3A_579 = arith.constant 15 : i32
        %add3A_580 = arith.addi %mul3A_331, %add3A_579 : i32
        %get3A_581 = arith.constant 0 : i32
        %get3A_582 = arith.index_cast %get3A_581 : i32 to index
        %get3A_583 = arith.index_cast %add3A_580 : i32 to index
        %get3A_584 = arith.constant 32 : index
        %get3A_585 = tpu.vector_load %arg6[%get3A_582, %get3A_583, %get3A_584] {strides = array<i32>} : memref<2x1024x64xbf16, #tpu.memory_space<vmem>>, vector<1x1x32xbf16>,
        %get3A_586 = vector.shape_cast %get3A_585 : vector<1x1x32xbf16> to vector<32xbf16>
        %add3A_587 = arith.constant 16 : i32
        %add3A_588 = arith.addi %mul3A_331, %add3A_587 : i32
        %get3A_589 = arith.constant 0 : i32
        %get3A_590 = arith.index_cast %get3A_589 : i32 to index
        %get3A_591 = arith.index_cast %add3A_588 : i32 to index
        %get3A_592 = arith.constant 0 : index
        %get3A_593 = tpu.vector_load %arg6[%get3A_590, %get3A_591, %get3A_592] {strides = array<i32>} : memref<2x1024x64xbf16, #tpu.memory_space<vmem>>, vector<1x1x32xbf16>,
        %get3A_594 = vector.shape_cast %get3A_593 : vector<1x1x32xbf16> to vector<32xbf16>
        %add3A_595 = arith.constant 16 : i32
        %add3A_596 = arith.addi %mul3A_331, %add3A_595 : i32
        %get3A_597 = arith.constant 0 : i32
        %get3A_598 = arith.index_cast %get3A_597 : i32 to index
        %get3A_599 = arith.index_cast %add3A_596 : i32 to index
        %get3A_600 = arith.constant 32 : index
        %get3A_601 = tpu.vector_load %arg6[%get3A_598, %get3A_599, %get3A_600] {strides = array<i32>} : memref<2x1024x64xbf16, #tpu.memory_space<vmem>>, vector<1x1x32xbf16>,
        %get3A_602 = vector.shape_cast %get3A_601 : vector<1x1x32xbf16> to vector<32xbf16>
        %add3A_603 = arith.constant 17 : i32
        %add3A_604 = arith.addi %mul3A_331, %add3A_603 : i32
        %get3A_605 = arith.constant 0 : i32
        %get3A_606 = arith.index_cast %get3A_605 : i32 to index
        %get3A_607 = arith.index_cast %add3A_604 : i32 to index
        %get3A_608 = arith.constant 0 : index
        %get3A_609 = tpu.vector_load %arg6[%get3A_606, %get3A_607, %get3A_608] {strides = array<i32>} : memref<2x1024x64xbf16, #tpu.memory_space<vmem>>, vector<1x1x32xbf16>,
        %get3A_610 = vector.shape_cast %get3A_609 : vector<1x1x32xbf16> to vector<32xbf16>
        %add3A_611 = arith.constant 17 : i32
        %add3A_612 = arith.addi %mul3A_331, %add3A_611 : i32
        %get3A_613 = arith.constant 0 : i32
        %get3A_614 = arith.index_cast %get3A_613 : i32 to index
        %get3A_615 = arith.index_cast %add3A_612 : i32 to index
        %get3A_616 = arith.constant 32 : index
        %get3A_617 = tpu.vector_load %arg6[%get3A_614, %get3A_615, %get3A_616] {strides = array<i32>} : memref<2x1024x64xbf16, #tpu.memory_space<vmem>>, vector<1x1x32xbf16>,
        %get3A_618 = vector.shape_cast %get3A_617 : vector<1x1x32xbf16> to vector<32xbf16>
        %add3A_619 = arith.constant 18 : i32
        %add3A_620 = arith.addi %mul3A_331, %add3A_619 : i32
        %get3A_621 = arith.constant 0 : i32
        %get3A_622 = arith.index_cast %get3A_621 : i32 to index
        %get3A_623 = arith.index_cast %add3A_620 : i32 to index
        %get3A_624 = arith.constant 0 : index
        %get3A_625 = tpu.vector_load %arg6[%get3A_622, %get3A_623, %get3A_624] {strides = array<i32>} : memref<2x1024x64xbf16, #tpu.memory_space<vmem>>, vector<1x1x32xbf16>,
        %get3A_626 = vector.shape_cast %get3A_625 : vector<1x1x32xbf16> to vector<32xbf16>
        %add3A_627 = arith.constant 18 : i32
        %add3A_628 = arith.addi %mul3A_331, %add3A_627 : i32
        %get3A_629 = arith.constant 0 : i32
        %get3A_630 = arith.index_cast %get3A_629 : i32 to index
        %get3A_631 = arith.index_cast %add3A_628 : i32 to index
        %get3A_632 = arith.constant 32 : index
        %get3A_633 = tpu.vector_load %arg6[%get3A_630, %get3A_631, %get3A_632] {strides = array<i32>} : memref<2x1024x64xbf16, #tpu.memory_space<vmem>>, vector<1x1x32xbf16>,
        %get3A_634 = vector.shape_cast %get3A_633 : vector<1x1x32xbf16> to vector<32xbf16>
        %add3A_635 = arith.constant 19 : i32
        %add3A_636 = arith.addi %mul3A_331, %add3A_635 : i32
        %get3A_637 = arith.constant 0 : i32
        %get3A_638 = arith.index_cast %get3A_637 : i32 to index
        %get3A_639 = arith.index_cast %add3A_636 : i32 to index
        %get3A_640 = arith.constant 0 : index
        %get3A_641 = tpu.vector_load %arg6[%get3A_638, %get3A_639, %get3A_640] {strides = array<i32>} : memref<2x1024x64xbf16, #tpu.memory_space<vmem>>, vector<1x1x32xbf16>,
        %get3A_642 = vector.shape_cast %get3A_641 : vector<1x1x32xbf16> to vector<32xbf16>
        %add3A_643 = arith.constant 19 : i32
        %add3A_644 = arith.addi %mul3A_331, %add3A_643 : i32
        %get3A_645 = arith.constant 0 : i32
        %get3A_646 = arith.index_cast %get3A_645 : i32 to index
        %get3A_647 = arith.index_cast %add3A_644 : i32 to index
        %get3A_648 = arith.constant 32 : index
        %get3A_649 = tpu.vector_load %arg6[%get3A_646, %get3A_647, %get3A_648] {strides = array<i32>} : memref<2x1024x64xbf16, #tpu.memory_space<vmem>>, vector<1x1x32xbf16>,
        %get3A_650 = vector.shape_cast %get3A_649 : vector<1x1x32xbf16> to vector<32xbf16>
        %add3A_651 = arith.constant 20 : i32
        %add3A_652 = arith.addi %mul3A_331, %add3A_651 : i32
        %get3A_653 = arith.constant 0 : i32
        %get3A_654 = arith.index_cast %get3A_653 : i32 to index
        %get3A_655 = arith.index_cast %add3A_652 : i32 to index
        %get3A_656 = arith.constant 0 : index
        %get3A_657 = tpu.vector_load %arg6[%get3A_654, %get3A_655, %get3A_656] {strides = array<i32>} : memref<2x1024x64xbf16, #tpu.memory_space<vmem>>, vector<1x1x32xbf16>,
        %get3A_658 = vector.shape_cast %get3A_657 : vector<1x1x32xbf16> to vector<32xbf16>
        %add3A_659 = arith.constant 20 : i32
        %add3A_660 = arith.addi %mul3A_331, %add3A_659 : i32
        %get3A_661 = arith.constant 0 : i32
        %get3A_662 = arith.index_cast %get3A_661 : i32 to index
        %get3A_663 = arith.index_cast %add3A_660 : i32 to index
        %get3A_664 = arith.constant 32 : index
        %get3A_665 = tpu.vector_load %arg6[%get3A_662, %get3A_663, %get3A_664] {strides = array<i32>} : memref<2x1024x64xbf16, #tpu.memory_space<vmem>>, vector<1x1x32xbf16>,
        %get3A_666 = vector.shape_cast %get3A_665 : vector<1x1x32xbf16> to vector<32xbf16>
        %add3A_667 = arith.constant 21 : i32
        %add3A_668 = arith.addi %mul3A_331, %add3A_667 : i32
        %get3A_669 = arith.constant 0 : i32
        %get3A_670 = arith.index_cast %get3A_669 : i32 to index
        %get3A_671 = arith.index_cast %add3A_668 : i32 to index
        %get3A_672 = arith.constant 0 : index
        %get3A_673 = tpu.vector_load %arg6[%get3A_670, %get3A_671, %get3A_672] {strides = array<i32>} : memref<2x1024x64xbf16, #tpu.memory_space<vmem>>, vector<1x1x32xbf16>,
        %get3A_674 = vector.shape_cast %get3A_673 : vector<1x1x32xbf16> to vector<32xbf16>
        %add3A_675 = arith.constant 21 : i32
        %add3A_676 = arith.addi %mul3A_331, %add3A_675 : i32
        %get3A_677 = arith.constant 0 : i32
        %get3A_678 = arith.index_cast %get3A_677 : i32 to index
        %get3A_679 = arith.index_cast %add3A_676 : i32 to index
        %get3A_680 = arith.constant 32 : index
        %get3A_681 = tpu.vector_load %arg6[%get3A_678, %get3A_679, %get3A_680] {strides = array<i32>} : memref<2x1024x64xbf16, #tpu.memory_space<vmem>>, vector<1x1x32xbf16>,
        %get3A_682 = vector.shape_cast %get3A_681 : vector<1x1x32xbf16> to vector<32xbf16>
        %add3A_683 = arith.constant 22 : i32
        %add3A_684 = arith.addi %mul3A_331, %add3A_683 : i32
        %get3A_685 = arith.constant 0 : i32
        %get3A_686 = arith.index_cast %get3A_685 : i32 to index
        %get3A_687 = arith.index_cast %add3A_684 : i32 to index
        %get3A_688 = arith.constant 0 : index
        %get3A_689 = tpu.vector_load %arg6[%get3A_686, %get3A_687, %get3A_688] {strides = array<i32>} : memref<2x1024x64xbf16, #tpu.memory_space<vmem>>, vector<1x1x32xbf16>,
        %get3A_690 = vector.shape_cast %get3A_689 : vector<1x1x32xbf16> to vector<32xbf16>
        %add3A_691 = arith.constant 22 : i32
        %add3A_692 = arith.addi %mul3A_331, %add3A_691 : i32
        %get3A_693 = arith.constant 0 : i32
        %get3A_694 = arith.index_cast %get3A_693 : i32 to index
        %get3A_695 = arith.index_cast %add3A_692 : i32 to index
        %get3A_696 = arith.constant 32 : index
        %get3A_697 = tpu.vector_load %arg6[%get3A_694, %get3A_695, %get3A_696] {strides = array<i32>} : memref<2x1024x64xbf16, #tpu.memory_space<vmem>>, vector<1x1x32xbf16>,
        %get3A_698 = vector.shape_cast %get3A_697 : vector<1x1x32xbf16> to vector<32xbf16>
        %add3A_699 = arith.constant 23 : i32
        %add3A_700 = arith.addi %mul3A_331, %add3A_699 : i32
        %get3A_701 = arith.constant 0 : i32
        %get3A_702 = arith.index_cast %get3A_701 : i32 to index
        %get3A_703 = arith.index_cast %add3A_700 : i32 to index
        %get3A_704 = arith.constant 0 : index
        %get3A_705 = tpu.vector_load %arg6[%get3A_702, %get3A_703, %get3A_704] {strides = array<i32>} : memref<2x1024x64xbf16, #tpu.memory_space<vmem>>, vector<1x1x32xbf16>,
        %get3A_706 = vector.shape_cast %get3A_705 : vector<1x1x32xbf16> to vector<32xbf16>
        %add3A_707 = arith.constant 23 : i32
        %add3A_708 = arith.addi %mul3A_331, %add3A_707 : i32
        %get3A_709 = arith.constant 0 : i32
        %get3A_710 = arith.index_cast %get3A_709 : i32 to index
        %get3A_711 = arith.index_cast %add3A_708 : i32 to index
        %get3A_712 = arith.constant 32 : index
        %get3A_713 = tpu.vector_load %arg6[%get3A_710, %get3A_711, %get3A_712] {strides = array<i32>} : memref<2x1024x64xbf16, #tpu.memory_space<vmem>>, vector<1x1x32xbf16>,
        %get3A_714 = vector.shape_cast %get3A_713 : vector<1x1x32xbf16> to vector<32xbf16>
        %add3A_715 = arith.constant 24 : i32
        %add3A_716 = arith.addi %mul3A_331, %add3A_715 : i32
        %get3A_717 = arith.constant 0 : i32
        %get3A_718 = arith.index_cast %get3A_717 : i32 to index
        %get3A_719 = arith.index_cast %add3A_716 : i32 to index
        %get3A_720 = arith.constant 0 : index
        %get3A_721 = tpu.vector_load %arg6[%get3A_718, %get3A_719, %get3A_720] {strides = array<i32>} : memref<2x1024x64xbf16, #tpu.memory_space<vmem>>, vector<1x1x32xbf16>,
        %get3A_722 = vector.shape_cast %get3A_721 : vector<1x1x32xbf16> to vector<32xbf16>
        %add3A_723 = arith.constant 24 : i32
        %add3A_724 = arith.addi %mul3A_331, %add3A_723 : i32
        %get3A_725 = arith.constant 0 : i32
        %get3A_726 = arith.index_cast %get3A_725 : i32 to index
        %get3A_727 = arith.index_cast %add3A_724 : i32 to index
        %get3A_728 = arith.constant 32 : index
        %get3A_729 = tpu.vector_load %arg6[%get3A_726, %get3A_727, %get3A_728] {strides = array<i32>} : memref<2x1024x64xbf16, #tpu.memory_space<vmem>>, vector<1x1x32xbf16>,
        %get3A_730 = vector.shape_cast %get3A_729 : vector<1x1x32xbf16> to vector<32xbf16>
        %add3A_731 = arith.constant 25 : i32
        %add3A_732 = arith.addi %mul3A_331, %add3A_731 : i32
        %get3A_733 = arith.constant 0 : i32
        %get3A_734 = arith.index_cast %get3A_733 : i32 to index
        %get3A_735 = arith.index_cast %add3A_732 : i32 to index
        %get3A_736 = arith.constant 0 : index
        %get3A_737 = tpu.vector_load %arg6[%get3A_734, %get3A_735, %get3A_736] {strides = array<i32>} : memref<2x1024x64xbf16, #tpu.memory_space<vmem>>, vector<1x1x32xbf16>,
        %get3A_738 = vector.shape_cast %get3A_737 : vector<1x1x32xbf16> to vector<32xbf16>
        %add3A_739 = arith.constant 25 : i32
        %add3A_740 = arith.addi %mul3A_331, %add3A_739 : i32
        %get3A_741 = arith.constant 0 : i32
        %get3A_742 = arith.index_cast %get3A_741 : i32 to index
        %get3A_743 = arith.index_cast %add3A_740 : i32 to index
        %get3A_744 = arith.constant 32 : index
        %get3A_745 = tpu.vector_load %arg6[%get3A_742, %get3A_743, %get3A_744] {strides = array<i32>} : memref<2x1024x64xbf16, #tpu.memory_space<vmem>>, vector<1x1x32xbf16>,
        %get3A_746 = vector.shape_cast %get3A_745 : vector<1x1x32xbf16> to vector<32xbf16>
        %add3A_747 = arith.constant 26 : i32
        %add3A_748 = arith.addi %mul3A_331, %add3A_747 : i32
        %get3A_749 = arith.constant 0 : i32
        %get3A_750 = arith.index_cast %get3A_749 : i32 to index
        %get3A_751 = arith.index_cast %add3A_748 : i32 to index
        %get3A_752 = arith.constant 0 : index
        %get3A_753 = tpu.vector_load %arg6[%get3A_750, %get3A_751, %get3A_752] {strides = array<i32>} : memref<2x1024x64xbf16, #tpu.memory_space<vmem>>, vector<1x1x32xbf16>,
        %get3A_754 = vector.shape_cast %get3A_753 : vector<1x1x32xbf16> to vector<32xbf16>
        %add3A_755 = arith.constant 26 : i32
        %add3A_756 = arith.addi %mul3A_331, %add3A_755 : i32
        %get3A_757 = arith.constant 0 : i32
        %get3A_758 = arith.index_cast %get3A_757 : i32 to index
        %get3A_759 = arith.index_cast %add3A_756 : i32 to index
        %get3A_760 = arith.constant 32 : index
        %get3A_761 = tpu.vector_load %arg6[%get3A_758, %get3A_759, %get3A_760] {strides = array<i32>} : memref<2x1024x64xbf16, #tpu.memory_space<vmem>>, vector<1x1x32xbf16>,
        %get3A_762 = vector.shape_cast %get3A_761 : vector<1x1x32xbf16> to vector<32xbf16>
        %add3A_763 = arith.constant 27 : i32
        %add3A_764 = arith.addi %mul3A_331, %add3A_763 : i32
        %get3A_765 = arith.constant 0 : i32
        %get3A_766 = arith.index_cast %get3A_765 : i32 to index
        %get3A_767 = arith.index_cast %add3A_764 : i32 to index
        %get3A_768 = arith.constant 0 : index
        %get3A_769 = tpu.vector_load %arg6[%get3A_766, %get3A_767, %get3A_768] {strides = array<i32>} : memref<2x1024x64xbf16, #tpu.memory_space<vmem>>, vector<1x1x32xbf16>,
        %get3A_770 = vector.shape_cast %get3A_769 : vector<1x1x32xbf16> to vector<32xbf16>
        %add3A_771 = arith.constant 27 : i32
        %add3A_772 = arith.addi %mul3A_331, %add3A_771 : i32
        %get3A_773 = arith.constant 0 : i32
        %get3A_774 = arith.index_cast %get3A_773 : i32 to index
        %get3A_775 = arith.index_cast %add3A_772 : i32 to index
        %get3A_776 = arith.constant 32 : index
        %get3A_777 = tpu.vector_load %arg6[%get3A_774, %get3A_775, %get3A_776] {strides = array<i32>} : memref<2x1024x64xbf16, #tpu.memory_space<vmem>>, vector<1x1x32xbf16>,
        %get3A_778 = vector.shape_cast %get3A_777 : vector<1x1x32xbf16> to vector<32xbf16>
        %add3A_779 = arith.constant 28 : i32
        %add3A_780 = arith.addi %mul3A_331, %add3A_779 : i32
        %get3A_781 = arith.constant 0 : i32
        %get3A_782 = arith.index_cast %get3A_781 : i32 to index
        %get3A_783 = arith.index_cast %add3A_780 : i32 to index
        %get3A_784 = arith.constant 0 : index
        %get3A_785 = tpu.vector_load %arg6[%get3A_782, %get3A_783, %get3A_784] {strides = array<i32>} : memref<2x1024x64xbf16, #tpu.memory_space<vmem>>, vector<1x1x32xbf16>,
        %get3A_786 = vector.shape_cast %get3A_785 : vector<1x1x32xbf16> to vector<32xbf16>
        %add3A_787 = arith.constant 28 : i32
        %add3A_788 = arith.addi %mul3A_331, %add3A_787 : i32
        %get3A_789 = arith.constant 0 : i32
        %get3A_790 = arith.index_cast %get3A_789 : i32 to index
        %get3A_791 = arith.index_cast %add3A_788 : i32 to index
        %get3A_792 = arith.constant 32 : index
        %get3A_793 = tpu.vector_load %arg6[%get3A_790, %get3A_791, %get3A_792] {strides = array<i32>} : memref<2x1024x64xbf16, #tpu.memory_space<vmem>>, vector<1x1x32xbf16>,
        %get3A_794 = vector.shape_cast %get3A_793 : vector<1x1x32xbf16> to vector<32xbf16>
        %add3A_795 = arith.constant 29 : i32
        %add3A_796 = arith.addi %mul3A_331, %add3A_795 : i32
        %get3A_797 = arith.constant 0 : i32
        %get3A_798 = arith.index_cast %get3A_797 : i32 to index
        %get3A_799 = arith.index_cast %add3A_796 : i32 to index
        %get3A_800 = arith.constant 0 : index
        %get3A_801 = tpu.vector_load %arg6[%get3A_798, %get3A_799, %get3A_800] {strides = array<i32>} : memref<2x1024x64xbf16, #tpu.memory_space<vmem>>, vector<1x1x32xbf16>,
        %get3A_802 = vector.shape_cast %get3A_801 : vector<1x1x32xbf16> to vector<32xbf16>
        %add3A_803 = arith.constant 29 : i32
        %add3A_804 = arith.addi %mul3A_331, %add3A_803 : i32
        %get3A_805 = arith.constant 0 : i32
        %get3A_806 = arith.index_cast %get3A_805 : i32 to index
        %get3A_807 = arith.index_cast %add3A_804 : i32 to index
        %get3A_808 = arith.constant 32 : index
        %get3A_809 = tpu.vector_load %arg6[%get3A_806, %get3A_807, %get3A_808] {strides = array<i32>} : memref<2x1024x64xbf16, #tpu.memory_space<vmem>>, vector<1x1x32xbf16>,
        %get3A_810 = vector.shape_cast %get3A_809 : vector<1x1x32xbf16> to vector<32xbf16>
        %add3A_811 = arith.constant 30 : i32
        %add3A_812 = arith.addi %mul3A_331, %add3A_811 : i32
        %get3A_813 = arith.constant 0 : i32
        %get3A_814 = arith.index_cast %get3A_813 : i32 to index
        %get3A_815 = arith.index_cast %add3A_812 : i32 to index
        %get3A_816 = arith.constant 0 : index
        %get3A_817 = tpu.vector_load %arg6[%get3A_814, %get3A_815, %get3A_816] {strides = array<i32>} : memref<2x1024x64xbf16, #tpu.memory_space<vmem>>, vector<1x1x32xbf16>,
        %get3A_818 = vector.shape_cast %get3A_817 : vector<1x1x32xbf16> to vector<32xbf16>
        %add3A_819 = arith.constant 30 : i32
        %add3A_820 = arith.addi %mul3A_331, %add3A_819 : i32
        %get3A_821 = arith.constant 0 : i32
        %get3A_822 = arith.index_cast %get3A_821 : i32 to index
        %get3A_823 = arith.index_cast %add3A_820 : i32 to index
        %get3A_824 = arith.constant 32 : index
        %get3A_825 = tpu.vector_load %arg6[%get3A_822, %get3A_823, %get3A_824] {strides = array<i32>} : memref<2x1024x64xbf16, #tpu.memory_space<vmem>>, vector<1x1x32xbf16>,
        %get3A_826 = vector.shape_cast %get3A_825 : vector<1x1x32xbf16> to vector<32xbf16>
        %add3A_827 = arith.constant 31 : i32
        %add3A_828 = arith.addi %mul3A_331, %add3A_827 : i32
        %get3A_829 = arith.constant 0 : i32
        %get3A_830 = arith.index_cast %get3A_829 : i32 to index
        %get3A_831 = arith.index_cast %add3A_828 : i32 to index
        %get3A_832 = arith.constant 0 : index
        %get3A_833 = tpu.vector_load %arg6[%get3A_830, %get3A_831, %get3A_832] {strides = array<i32>} : memref<2x1024x64xbf16, #tpu.memory_space<vmem>>, vector<1x1x32xbf16>,
        %get3A_834 = vector.shape_cast %get3A_833 : vector<1x1x32xbf16> to vector<32xbf16>
        %add3A_835 = arith.constant 31 : i32
        %add3A_836 = arith.addi %mul3A_331, %add3A_835 : i32
        %get3A_837 = arith.constant 0 : i32
        %get3A_838 = arith.index_cast %get3A_837 : i32 to index
        %get3A_839 = arith.index_cast %add3A_836 : i32 to index
        %get3A_840 = arith.constant 32 : index
        %get3A_841 = tpu.vector_load %arg6[%get3A_838, %get3A_839, %get3A_840] {strides = array<i32>} : memref<2x1024x64xbf16, #tpu.memory_space<vmem>>, vector<1x1x32xbf16>,
        %get3A_842 = vector.shape_cast %get3A_841 : vector<1x1x32xbf16> to vector<32xbf16>
        %max3A = arith.maximumf %get3A_338, %get3A_354 : vector<32xbf16>
        %max3A_843 = arith.maximumf %get3A_346, %get3A_362 : vector<32xbf16>
        %max3A_844 = arith.maximumf %get3A_370, %get3A_386 : vector<32xbf16>
        %max3A_845 = arith.maximumf %get3A_378, %get3A_394 : vector<32xbf16>
        %max3A_846 = arith.maximumf %get3A_402, %get3A_418 : vector<32xbf16>
        %max3A_847 = arith.maximumf %get3A_410, %get3A_426 : vector<32xbf16>
        %max3A_848 = arith.maximumf %get3A_434, %get3A_450 : vector<32xbf16>
        %max3A_849 = arith.maximumf %get3A_442, %get3A_458 : vector<32xbf16>
        %max3A_850 = arith.maximumf %get3A_466, %get3A_482 : vector<32xbf16>
        %max3A_851 = arith.maximumf %get3A_474, %get3A_490 : vector<32xbf16>
        %max3A_852 = arith.maximumf %get3A_498, %get3A_514 : vector<32xbf16>
        %max3A_853 = arith.maximumf %get3A_506, %get3A_522 : vector<32xbf16>
        %max3A_854 = arith.maximumf %get3A_530, %get3A_546 : vector<32xbf16>
        %max3A_855 = arith.maximumf %get3A_538, %get3A_554 : vector<32xbf16>
        %max3A_856 = arith.maximumf %get3A_562, %get3A_578 : vector<32xbf16>
        %max3A_857 = arith.maximumf %get3A_570, %get3A_586 : vector<32xbf16>
        %max3A_858 = arith.maximumf %get3A_594, %get3A_610 : vector<32xbf16>
        %max3A_859 = arith.maximumf %get3A_602, %get3A_618 : vector<32xbf16>
        %max3A_860 = arith.maximumf %get3A_626, %get3A_642 : vector<32xbf16>
        %max3A_861 = arith.maximumf %get3A_634, %get3A_650 : vector<32xbf16>
        %max3A_862 = arith.maximumf %get3A_658, %get3A_674 : vector<32xbf16>
        %max3A_863 = arith.maximumf %get3A_666, %get3A_682 : vector<32xbf16>
        %max3A_864 = arith.maximumf %get3A_690, %get3A_706 : vector<32xbf16>
        %max3A_865 = arith.maximumf %get3A_698, %get3A_714 : vector<32xbf16>
        %max3A_866 = arith.maximumf %get3A_722, %get3A_738 : vector<32xbf16>
        %max3A_867 = arith.maximumf %get3A_730, %get3A_746 : vector<32xbf16>
        %max3A_868 = arith.maximumf %get3A_754, %get3A_770 : vector<32xbf16>
        %max3A_869 = arith.maximumf %get3A_762, %get3A_778 : vector<32xbf16>
        %max3A_870 = arith.maximumf %get3A_786, %get3A_802 : vector<32xbf16>
        %max3A_871 = arith.maximumf %get3A_794, %get3A_810 : vector<32xbf16>
        %max3A_872 = arith.maximumf %get3A_818, %get3A_834 : vector<32xbf16>
        %max3A_873 = arith.maximumf %get3A_826, %get3A_842 : vector<32xbf16>
        %max3A_874 = arith.maximumf %max3A, %max3A_844 : vector<32xbf16>
        %max3A_875 = arith.maximumf %max3A_843, %max3A_845 : vector<32xbf16>
        %max3A_876 = arith.maximumf %max3A_846, %max3A_848 : vector<32xbf16>
        %max3A_877 = arith.maximumf %max3A_847, %max3A_849 : vector<32xbf16>
        %max3A_878 = arith.maximumf %max3A_850, %max3A_852 : vector<32xbf16>
        %max3A_879 = arith.maximumf %max3A_851, %max3A_853 : vector<32xbf16>
        %max3A_880 = arith.maximumf %max3A_854, %max3A_856 : vector<32xbf16>
        %max3A_881 = arith.maximumf %max3A_855, %max3A_857 : vector<32xbf16>
        %max3A_882 = arith.maximumf %max3A_858, %max3A_860 : vector<32xbf16>
        %max3A_883 = arith.maximumf %max3A_859, %max3A_861 : vector<32xbf16>
        %max3A_884 = arith.maximumf %max3A_862, %max3A_864 : vector<32xbf16>
        %max3A_885 = arith.maximumf %max3A_863, %max3A_865 : vector<32xbf16>
        %max3A_886 = arith.maximumf %max3A_866, %max3A_868 : vector<32xbf16>
        %max3A_887 = arith.maximumf %max3A_867, %max3A_869 : vector<32xbf16>
        %max3A_888 = arith.maximumf %max3A_870, %max3A_872 : vector<32xbf16>
        %max3A_889 = arith.maximumf %max3A_871, %max3A_873 : vector<32xbf16>
        %max3A_890 = arith.maximumf %max3A_874, %max3A_876 : vector<32xbf16>
        %max3A_891 = arith.maximumf %max3A_875, %max3A_877 : vector<32xbf16>
        %max3A_892 = arith.maximumf %max3A_878, %max3A_880 : vector<32xbf16>
        %max3A_893 = arith.maximumf %max3A_879, %max3A_881 : vector<32xbf16>
        %max3A_894 = arith.maximumf %max3A_882, %max3A_884 : vector<32xbf16>
        %max3A_895 = arith.maximumf %max3A_883, %max3A_885 : vector<32xbf16>
        %max3A_896 = arith.maximumf %max3A_886, %max3A_888 : vector<32xbf16>
        %max3A_897 = arith.maximumf %max3A_887, %max3A_889 : vector<32xbf16>
        %max3A_898 = arith.maximumf %max3A_890, %max3A_892 : vector<32xbf16>
        %max3A_899 = arith.maximumf %max3A_891, %max3A_893 : vector<32xbf16>
        %max3A_900 = arith.maximumf %max3A_894, %max3A_896 : vector<32xbf16>
        %max3A_901 = arith.maximumf %max3A_895, %max3A_897 : vector<32xbf16>
        %max3A_902 = arith.maximumf %max3A_898, %max3A_900 : vector<32xbf16>
        %max3A_903 = arith.maximumf %max3A_899, %max3A_901 : vector<32xbf16>
        %mul3A_904 = arith.constant 32 : i32
        %mul3A_905 = arith.muli %mul3A_133, %mul3A_904 : i32
        %add3A_906 = arith.addi %mul3A_905, %scan3A_329 : i32
        %swap3A = arith.index_cast %add3A_906 : i32 to index
        %swap3A_907 = arith.constant 0 : index
        %swap3A_908 = tpu.vector_load %arg7[%swap3A, %swap3A_907] {strides = array<i32>} : memref<320x64xbf16, #tpu.memory_space<vmem>>, vector<1x32xbf16>,
        %swap3A_909 = vector.shape_cast %swap3A_908 : vector<1x32xbf16> to vector<32xbf16>
        %swap3A_910 = vector.shape_cast %max3A_902 : vector<32xbf16> to vector<1x32xbf16>
        tpu.vector_store %arg7[%swap3A, %swap3A_907], %swap3A_910 {strides = array<i32>} : memref<320x64xbf16, #tpu.memory_space<vmem>>, vector<1x32xbf16>,
        %swap3A_911 = arith.index_cast %add3A_906 : i32 to index
        %swap3A_912 = arith.constant 32 : index
        %swap3A_913 = tpu.vector_load %arg7[%swap3A_911, %swap3A_912] {strides = array<i32>} : memref<320x64xbf16, #tpu.memory_space<vmem>>, vector<1x32xbf16>,
        %swap3A_914 = vector.shape_cast %swap3A_913 : vector<1x32xbf16> to vector<32xbf16>
        %swap3A_915 = vector.shape_cast %max3A_903 : vector<32xbf16> to vector<1x32xbf16>
        tpu.vector_store %arg7[%swap3A_911, %swap3A_912], %swap3A_915 {strides = array<i32>} : memref<320x64xbf16, #tpu.memory_space<vmem>>, vector<1x32xbf16>,
      }
      %scan3A_299 = arith.constant 32 : i32
      %add3A_300 = arith.constant 2 : i32
      %add3A_301 = arith.addi %mul3A_133, %add3A_300 : i32
      %lt3A = arith.constant 10 : i32
      %lt3A_302 = arith.cmpi slt, %add3A_301, %lt3A : i32
      %convert_element_type3A_303 = arith.extui %lt3A_302 : i1 to i32
      %cond3A_304 = arith.constant 0 : i32
      %cond3A_305 = arith.cmpi ne, %convert_element_type3A_303, %cond3A_304 : i32
      scf.if %cond3A_305 {
        %add3A_329 = arith.constant 2 : i32
        %add3A_330 = arith.addi %mul3A_133, %add3A_329 : i32
        %mul3A_331 = arith.constant 8 : i32
        %mul3A_332 = arith.muli %add3A_330, %mul3A_331 : i32
        %add3A_333 = arith.constant 0 : i32
        %add3A_334 = arith.addi %mul3A_332, %add3A_333 : i32
        %dma_start3A_335 = arith.constant 0 : i32
        %dma_start3A_336 = arith.constant 0 : i32
        %dma_start3A_337 = arith.constant 0 : i32
        %dma_start3A_338 = tpu.memref_slice %arg6[%dma_start3A_335, %dma_start3A_336, %dma_start3A_337] : memref<2x1024x64xbf16, #tpu.memory_space<vmem>> -> memref<1x1024x64xbf16, #tpu.memory_space<vmem>>
        %dma_start3A_339 = tpu.memref_squeeze %dma_start3A_338 : memref<1x1024x64xbf16, #tpu.memory_space<vmem>> -> memref<1024x64xbf16, #tpu.memory_space<vmem>>
        %dma_start3A_340 = arith.constant 0 : i32
        %dma_start3A_341 = arith.constant 0 : i32
        %dma_start3A_342 = tpu.memref_slice %dma_start3A_339[%dma_start3A_340, %dma_start3A_341] : memref<1024x64xbf16, #tpu.memory_space<vmem>> -> memref<128x64xbf16, #tpu.memory_space<vmem>>
        %dma_start3A_343 = arith.constant 0 : i32
        %dma_start3A_344 = tpu.memref_slice %arg5[%add3A_334, %dma_start3A_343] : memref<80x128xi32, #tpu.memory_space<vmem>> -> memref<1x128xi32, #tpu.memory_space<vmem>>
        %dma_start3A_345 = tpu.memref_squeeze %dma_start3A_344 : memref<1x128xi32, #tpu.memory_space<vmem>> -> memref<128xi32, #tpu.memory_space<vmem>>
        %dma_start3A_346 = arith.constant 0 : i32
        %dma_start3A_347 = arith.constant 0 : i32
        %dma_start3A_348 = tpu.memref_slice %arg8[%dma_start3A_346, %dma_start3A_347] : memref<10000x64xbf16, #tpu.memory_space<vmem_shared>> -> memref<10000x64xbf16, #tpu.memory_space<vmem_shared>>
        tpu.enqueue_indirect_dma source(%dma_start3A_348 : memref<10000x64xbf16, #tpu.memory_space<vmem_shared>>) target(%dma_start3A_342 : memref<128x64xbf16, #tpu.memory_space<vmem>>) offsets(%dma_start3A_345 : memref<128xi32, #tpu.memory_space<vmem>>) semaphore(%arg9 : memref<!tpu.dma_semaphore, #tpu.memory_space<semaphore_mem>>)
        %mul3A_349 = arith.constant 8 : i32
        %mul3A_350 = arith.muli %add3A_330, %mul3A_349 : i32
        %add3A_351 = arith.constant 1 : i32
        %add3A_352 = arith.addi %mul3A_350, %add3A_351 : i32
        %dma_start3A_353 = arith.constant 0 : i32
        %dma_start3A_354 = arith.constant 0 : i32
        %dma_start3A_355 = arith.constant 0 : i32
        %dma_start3A_356 = tpu.memref_slice %arg6[%dma_start3A_353, %dma_start3A_354, %dma_start3A_355] : memref<2x1024x64xbf16, #tpu.memory_space<vmem>> -> memref<1x1024x64xbf16, #tpu.memory_space<vmem>>
        %dma_start3A_357 = tpu.memref_squeeze %dma_start3A_356 : memref<1x1024x64xbf16, #tpu.memory_space<vmem>> -> memref<1024x64xbf16, #tpu.memory_space<vmem>>
        %dma_start3A_358 = arith.constant 128 : i32
        %dma_start3A_359 = arith.constant 0 : i32
        %dma_start3A_360 = tpu.memref_slice %dma_start3A_357[%dma_start3A_358, %dma_start3A_359] : memref<1024x64xbf16, #tpu.memory_space<vmem>> -> memref<128x64xbf16, #tpu.memory_space<vmem>>
        %dma_start3A_361 = arith.constant 0 : i32
        %dma_start3A_362 = tpu.memref_slice %arg5[%add3A_352, %dma_start3A_361] : memref<80x128xi32, #tpu.memory_space<vmem>> -> memref<1x128xi32, #tpu.memory_space<vmem>>
        %dma_start3A_363 = tpu.memref_squeeze %dma_start3A_362 : memref<1x128xi32, #tpu.memory_space<vmem>> -> memref<128xi32, #tpu.memory_space<vmem>>
        %dma_start3A_364 = arith.constant 0 : i32
        %dma_start3A_365 = arith.constant 0 : i32
        %dma_start3A_366 = tpu.memref_slice %arg8[%dma_start3A_364, %dma_start3A_365] : memref<10000x64xbf16, #tpu.memory_space<vmem_shared>> -> memref<10000x64xbf16, #tpu.memory_space<vmem_shared>>
        tpu.enqueue_indirect_dma source(%dma_start3A_366 : memref<10000x64xbf16, #tpu.memory_space<vmem_shared>>) target(%dma_start3A_360 : memref<128x64xbf16, #tpu.memory_space<vmem>>) offsets(%dma_start3A_363 : memref<128xi32, #tpu.memory_space<vmem>>) semaphore(%arg9 : memref<!tpu.dma_semaphore, #tpu.memory_space<semaphore_mem>>)
        %mul3A_367 = arith.constant 8 : i32
        %mul3A_368 = arith.muli %add3A_330, %mul3A_367 : i32
        %add3A_369 = arith.constant 2 : i32
        %add3A_370 = arith.addi %mul3A_368, %add3A_369 : i32
        %dma_start3A_371 = arith.constant 0 : i32
        %dma_start3A_372 = arith.constant 0 : i32
        %dma_start3A_373 = arith.constant 0 : i32
        %dma_start3A_374 = tpu.memref_slice %arg6[%dma_start3A_371, %dma_start3A_372, %dma_start3A_373] : memref<2x1024x64xbf16, #tpu.memory_space<vmem>> -> memref<1x1024x64xbf16, #tpu.memory_space<vmem>>
        %dma_start3A_375 = tpu.memref_squeeze %dma_start3A_374 : memref<1x1024x64xbf16, #tpu.memory_space<vmem>> -> memref<1024x64xbf16, #tpu.memory_space<vmem>>
        %dma_start3A_376 = arith.constant 256 : i32
        %dma_start3A_377 = arith.constant 0 : i32
        %dma_start3A_378 = tpu.memref_slice %dma_start3A_375[%dma_start3A_376, %dma_start3A_377] : memref<1024x64xbf16, #tpu.memory_space<vmem>> -> memref<128x64xbf16, #tpu.memory_space<vmem>>
        %dma_start3A_379 = arith.constant 0 : i32
        %dma_start3A_380 = tpu.memref_slice %arg5[%add3A_370, %dma_start3A_379] : memref<80x128xi32, #tpu.memory_space<vmem>> -> memref<1x128xi32, #tpu.memory_space<vmem>>
        %dma_start3A_381 = tpu.memref_squeeze %dma_start3A_380 : memref<1x128xi32, #tpu.memory_space<vmem>> -> memref<128xi32, #tpu.memory_space<vmem>>
        %dma_start3A_382 = arith.constant 0 : i32
        %dma_start3A_383 = arith.constant 0 : i32
        %dma_start3A_384 = tpu.memref_slice %arg8[%dma_start3A_382, %dma_start3A_383] : memref<10000x64xbf16, #tpu.memory_space<vmem_shared>> -> memref<10000x64xbf16, #tpu.memory_space<vmem_shared>>
        tpu.enqueue_indirect_dma source(%dma_start3A_384 : memref<10000x64xbf16, #tpu.memory_space<vmem_shared>>) target(%dma_start3A_378 : memref<128x64xbf16, #tpu.memory_space<vmem>>) offsets(%dma_start3A_381 : memref<128xi32, #tpu.memory_space<vmem>>) semaphore(%arg9 : memref<!tpu.dma_semaphore, #tpu.memory_space<semaphore_mem>>)
        %mul3A_385 = arith.constant 8 : i32
        %mul3A_386 = arith.muli %add3A_330, %mul3A_385 : i32
        %add3A_387 = arith.constant 3 : i32
        %add3A_388 = arith.addi %mul3A_386, %add3A_387 : i32
        %dma_start3A_389 = arith.constant 0 : i32
        %dma_start3A_390 = arith.constant 0 : i32
        %dma_start3A_391 = arith.constant 0 : i32
        %dma_start3A_392 = tpu.memref_slice %arg6[%dma_start3A_389, %dma_start3A_390, %dma_start3A_391] : memref<2x1024x64xbf16, #tpu.memory_space<vmem>> -> memref<1x1024x64xbf16, #tpu.memory_space<vmem>>
        %dma_start3A_393 = tpu.memref_squeeze %dma_start3A_392 : memref<1x1024x64xbf16, #tpu.memory_space<vmem>> -> memref<1024x64xbf16, #tpu.memory_space<vmem>>
        %dma_start3A_394 = arith.constant 384 : i32
        %dma_start3A_395 = arith.constant 0 : i32
        %dma_start3A_396 = tpu.memref_slice %dma_start3A_393[%dma_start3A_394, %dma_start3A_395] : memref<1024x64xbf16, #tpu.memory_space<vmem>> -> memref<128x64xbf16, #tpu.memory_space<vmem>>
        %dma_start3A_397 = arith.constant 0 : i32
        %dma_start3A_398 = tpu.memref_slice %arg5[%add3A_388, %dma_start3A_397] : memref<80x128xi32, #tpu.memory_space<vmem>> -> memref<1x128xi32, #tpu.memory_space<vmem>>
        %dma_start3A_399 = tpu.memref_squeeze %dma_start3A_398 : memref<1x128xi32, #tpu.memory_space<vmem>> -> memref<128xi32, #tpu.memory_space<vmem>>
        %dma_start3A_400 = arith.constant 0 : i32
        %dma_start3A_401 = arith.constant 0 : i32
        %dma_start3A_402 = tpu.memref_slice %arg8[%dma_start3A_400, %dma_start3A_401] : memref<10000x64xbf16, #tpu.memory_space<vmem_shared>> -> memref<10000x64xbf16, #tpu.memory_space<vmem_shared>>
        tpu.enqueue_indirect_dma source(%dma_start3A_402 : memref<10000x64xbf16, #tpu.memory_space<vmem_shared>>) target(%dma_start3A_396 : memref<128x64xbf16, #tpu.memory_space<vmem>>) offsets(%dma_start3A_399 : memref<128xi32, #tpu.memory_space<vmem>>) semaphore(%arg9 : memref<!tpu.dma_semaphore, #tpu.memory_space<semaphore_mem>>)
        %mul3A_403 = arith.constant 8 : i32
        %mul3A_404 = arith.muli %add3A_330, %mul3A_403 : i32
        %add3A_405 = arith.constant 4 : i32
        %add3A_406 = arith.addi %mul3A_404, %add3A_405 : i32
        %dma_start3A_407 = arith.constant 0 : i32
        %dma_start3A_408 = arith.constant 0 : i32
        %dma_start3A_409 = arith.constant 0 : i32
        %dma_start3A_410 = tpu.memref_slice %arg6[%dma_start3A_407, %dma_start3A_408, %dma_start3A_409] : memref<2x1024x64xbf16, #tpu.memory_space<vmem>> -> memref<1x1024x64xbf16, #tpu.memory_space<vmem>>
        %dma_start3A_411 = tpu.memref_squeeze %dma_start3A_410 : memref<1x1024x64xbf16, #tpu.memory_space<vmem>> -> memref<1024x64xbf16, #tpu.memory_space<vmem>>
        %dma_start3A_412 = arith.constant 512 : i32
        %dma_start3A_413 = arith.constant 0 : i32
        %dma_start3A_414 = tpu.memref_slice %dma_start3A_411[%dma_start3A_412, %dma_start3A_413] : memref<1024x64xbf16, #tpu.memory_space<vmem>> -> memref<128x64xbf16, #tpu.memory_space<vmem>>
        %dma_start3A_415 = arith.constant 0 : i32
        %dma_start3A_416 = tpu.memref_slice %arg5[%add3A_406, %dma_start3A_415] : memref<80x128xi32, #tpu.memory_space<vmem>> -> memref<1x128xi32, #tpu.memory_space<vmem>>
        %dma_start3A_417 = tpu.memref_squeeze %dma_start3A_416 : memref<1x128xi32, #tpu.memory_space<vmem>> -> memref<128xi32, #tpu.memory_space<vmem>>
        %dma_start3A_418 = arith.constant 0 : i32
        %dma_start3A_419 = arith.constant 0 : i32
        %dma_start3A_420 = tpu.memref_slice %arg8[%dma_start3A_418, %dma_start3A_419] : memref<10000x64xbf16, #tpu.memory_space<vmem_shared>> -> memref<10000x64xbf16, #tpu.memory_space<vmem_shared>>
        tpu.enqueue_indirect_dma source(%dma_start3A_420 : memref<10000x64xbf16, #tpu.memory_space<vmem_shared>>) target(%dma_start3A_414 : memref<128x64xbf16, #tpu.memory_space<vmem>>) offsets(%dma_start3A_417 : memref<128xi32, #tpu.memory_space<vmem>>) semaphore(%arg9 : memref<!tpu.dma_semaphore, #tpu.memory_space<semaphore_mem>>)
        %mul3A_421 = arith.constant 8 : i32
        %mul3A_422 = arith.muli %add3A_330, %mul3A_421 : i32
        %add3A_423 = arith.constant 5 : i32
        %add3A_424 = arith.addi %mul3A_422, %add3A_423 : i32
        %dma_start3A_425 = arith.constant 0 : i32
        %dma_start3A_426 = arith.constant 0 : i32
        %dma_start3A_427 = arith.constant 0 : i32
        %dma_start3A_428 = tpu.memref_slice %arg6[%dma_start3A_425, %dma_start3A_426, %dma_start3A_427] : memref<2x1024x64xbf16, #tpu.memory_space<vmem>> -> memref<1x1024x64xbf16, #tpu.memory_space<vmem>>
        %dma_start3A_429 = tpu.memref_squeeze %dma_start3A_428 : memref<1x1024x64xbf16, #tpu.memory_space<vmem>> -> memref<1024x64xbf16, #tpu.memory_space<vmem>>
        %dma_start3A_430 = arith.constant 640 : i32
        %dma_start3A_431 = arith.constant 0 : i32
        %dma_start3A_432 = tpu.memref_slice %dma_start3A_429[%dma_start3A_430, %dma_start3A_431] : memref<1024x64xbf16, #tpu.memory_space<vmem>> -> memref<128x64xbf16, #tpu.memory_space<vmem>>
        %dma_start3A_433 = arith.constant 0 : i32
        %dma_start3A_434 = tpu.memref_slice %arg5[%add3A_424, %dma_start3A_433] : memref<80x128xi32, #tpu.memory_space<vmem>> -> memref<1x128xi32, #tpu.memory_space<vmem>>
        %dma_start3A_435 = tpu.memref_squeeze %dma_start3A_434 : memref<1x128xi32, #tpu.memory_space<vmem>> -> memref<128xi32, #tpu.memory_space<vmem>>
        %dma_start3A_436 = arith.constant 0 : i32
        %dma_start3A_437 = arith.constant 0 : i32
        %dma_start3A_438 = tpu.memref_slice %arg8[%dma_start3A_436, %dma_start3A_437] : memref<10000x64xbf16, #tpu.memory_space<vmem_shared>> -> memref<10000x64xbf16, #tpu.memory_space<vmem_shared>>
        tpu.enqueue_indirect_dma source(%dma_start3A_438 : memref<10000x64xbf16, #tpu.memory_space<vmem_shared>>) target(%dma_start3A_432 : memref<128x64xbf16, #tpu.memory_space<vmem>>) offsets(%dma_start3A_435 : memref<128xi32, #tpu.memory_space<vmem>>) semaphore(%arg9 : memref<!tpu.dma_semaphore, #tpu.memory_space<semaphore_mem>>)
        %mul3A_439 = arith.constant 8 : i32
        %mul3A_440 = arith.muli %add3A_330, %mul3A_439 : i32
        %add3A_441 = arith.constant 6 : i32
        %add3A_442 = arith.addi %mul3A_440, %add3A_441 : i32
        %dma_start3A_443 = arith.constant 0 : i32
        %dma_start3A_444 = arith.constant 0 : i32
        %dma_start3A_445 = arith.constant 0 : i32
        %dma_start3A_446 = tpu.memref_slice %arg6[%dma_start3A_443, %dma_start3A_444, %dma_start3A_445] : memref<2x1024x64xbf16, #tpu.memory_space<vmem>> -> memref<1x1024x64xbf16, #tpu.memory_space<vmem>>
        %dma_start3A_447 = tpu.memref_squeeze %dma_start3A_446 : memref<1x1024x64xbf16, #tpu.memory_space<vmem>> -> memref<1024x64xbf16, #tpu.memory_space<vmem>>
        %dma_start3A_448 = arith.constant 768 : i32
        %dma_start3A_449 = arith.constant 0 : i32
        %dma_start3A_450 = tpu.memref_slice %dma_start3A_447[%dma_start3A_448, %dma_start3A_449] : memref<1024x64xbf16, #tpu.memory_space<vmem>> -> memref<128x64xbf16, #tpu.memory_space<vmem>>
        %dma_start3A_451 = arith.constant 0 : i32
        %dma_start3A_452 = tpu.memref_slice %arg5[%add3A_442, %dma_start3A_451] : memref<80x128xi32, #tpu.memory_space<vmem>> -> memref<1x128xi32, #tpu.memory_space<vmem>>
        %dma_start3A_453 = tpu.memref_squeeze %dma_start3A_452 : memref<1x128xi32, #tpu.memory_space<vmem>> -> memref<128xi32, #tpu.memory_space<vmem>>
        %dma_start3A_454 = arith.constant 0 : i32
        %dma_start3A_455 = arith.constant 0 : i32
        %dma_start3A_456 = tpu.memref_slice %arg8[%dma_start3A_454, %dma_start3A_455] : memref<10000x64xbf16, #tpu.memory_space<vmem_shared>> -> memref<10000x64xbf16, #tpu.memory_space<vmem_shared>>
        tpu.enqueue_indirect_dma source(%dma_start3A_456 : memref<10000x64xbf16, #tpu.memory_space<vmem_shared>>) target(%dma_start3A_450 : memref<128x64xbf16, #tpu.memory_space<vmem>>) offsets(%dma_start3A_453 : memref<128xi32, #tpu.memory_space<vmem>>) semaphore(%arg9 : memref<!tpu.dma_semaphore, #tpu.memory_space<semaphore_mem>>)
        %mul3A_457 = arith.constant 8 : i32
        %mul3A_458 = arith.muli %add3A_330, %mul3A_457 : i32
        %add3A_459 = arith.constant 7 : i32
        %add3A_460 = arith.addi %mul3A_458, %add3A_459 : i32
        %dma_start3A_461 = arith.constant 0 : i32
        %dma_start3A_462 = arith.constant 0 : i32
        %dma_start3A_463 = arith.constant 0 : i32
        %dma_start3A_464 = tpu.memref_slice %arg6[%dma_start3A_461, %dma_start3A_462, %dma_start3A_463] : memref<2x1024x64xbf16, #tpu.memory_space<vmem>> -> memref<1x1024x64xbf16, #tpu.memory_space<vmem>>
        %dma_start3A_465 = tpu.memref_squeeze %dma_start3A_464 : memref<1x1024x64xbf16, #tpu.memory_space<vmem>> -> memref<1024x64xbf16, #tpu.memory_space<vmem>>
        %dma_start3A_466 = arith.constant 896 : i32
        %dma_start3A_467 = arith.constant 0 : i32
        %dma_start3A_468 = tpu.memref_slice %dma_start3A_465[%dma_start3A_466, %dma_start3A_467] : memref<1024x64xbf16, #tpu.memory_space<vmem>> -> memref<128x64xbf16, #tpu.memory_space<vmem>>
        %dma_start3A_469 = arith.constant 0 : i32
        %dma_start3A_470 = tpu.memref_slice %arg5[%add3A_460, %dma_start3A_469] : memref<80x128xi32, #tpu.memory_space<vmem>> -> memref<1x128xi32, #tpu.memory_space<vmem>>
        %dma_start3A_471 = tpu.memref_squeeze %dma_start3A_470 : memref<1x128xi32, #tpu.memory_space<vmem>> -> memref<128xi32, #tpu.memory_space<vmem>>
        %dma_start3A_472 = arith.constant 0 : i32
        %dma_start3A_473 = arith.constant 0 : i32
        %dma_start3A_474 = tpu.memref_slice %arg8[%dma_start3A_472, %dma_start3A_473] : memref<10000x64xbf16, #tpu.memory_space<vmem_shared>> -> memref<10000x64xbf16, #tpu.memory_space<vmem_shared>>
        tpu.enqueue_indirect_dma source(%dma_start3A_474 : memref<10000x64xbf16, #tpu.memory_space<vmem_shared>>) target(%dma_start3A_468 : memref<128x64xbf16, #tpu.memory_space<vmem>>) offsets(%dma_start3A_471 : memref<128xi32, #tpu.memory_space<vmem>>) semaphore(%arg9 : memref<!tpu.dma_semaphore, #tpu.memory_space<semaphore_mem>>)
      } else {
      }
      %dma_wait3A_306 = arith.constant 1 : i32
      %dma_wait3A_307 = arith.constant 0 : i32
      %dma_wait3A_308 = arith.constant 0 : i32
      %dma_wait3A_309 = tpu.memref_slice %arg6[%dma_wait3A_306, %dma_wait3A_307, %dma_wait3A_308] : memref<2x1024x64xbf16, #tpu.memory_space<vmem>> -> memref<1x1024x64xbf16, #tpu.memory_space<vmem>>
      %dma_wait3A_310 = tpu.memref_squeeze %dma_wait3A_309 : memref<1x1024x64xbf16, #tpu.memory_space<vmem>> -> memref<1024x64xbf16, #tpu.memory_space<vmem>>
      %dma_wait3A_311 = arith.constant 0 : i32
      %dma_wait3A_312 = arith.constant 0 : i32
      %dma_wait3A_313 = tpu.memref_slice %arg2[%dma_wait3A_311, %dma_wait3A_312] : memref<10000x64xbf16, #tpu.memory_space<hbm>> -> memref<1024x64xbf16, #tpu.memory_space<hbm>>
      %dma_wait3A_314 = arith.constant 0 : i32
      %dma_wait3A_315 = arith.constant 0 : i32
      %dma_wait3A_316 = tpu.memref_slice %arg6[%dma_wait3A_306, %dma_wait3A_314, %dma_wait3A_315] : memref<2x1024x64xbf16, #tpu.memory_space<vmem>> -> memref<1x1024x64xbf16, #tpu.memory_space<vmem>>
      %dma_wait3A_317 = tpu.memref_squeeze %dma_wait3A_316 : memref<1x1024x64xbf16, #tpu.memory_space<vmem>> -> memref<1024x64xbf16, #tpu.memory_space<vmem>>
      %dma_wait3A_318 = arith.constant 0 : i32
      %dma_wait3A_319 = arith.constant 0 : i32
      %dma_wait3A_320 = tpu.memref_slice %arg2[%dma_wait3A_318, %dma_wait3A_319] : memref<10000x64xbf16, #tpu.memory_space<hbm>> -> memref<1024x64xbf16, #tpu.memory_space<hbm>>
      tpu.wait_dma2 semaphore(%arg10 : memref<!tpu.dma_semaphore, #tpu.memory_space<semaphore_mem>>) src(%dma_wait3A_320 : memref<1024x64xbf16, #tpu.memory_space<hbm>>) dst(%dma_wait3A_317 : memref<1024x64xbf16, #tpu.memory_space<vmem>>)
      %add3A_321 = arith.constant 1 : i32
      %add3A_322 = arith.addi %mul3A_133, %add3A_321 : i32
      %scan3A_323 = arith.constant 0 : i32
      %scan3A_324 = arith.constant 0 : i32
      %scan3A_325 = arith.constant 32 : i32
      %scan3A_326 = arith.addi %scan3A_324, %scan3A_325 : i32
      %scan3A_327 = arith.constant 1 : i32
      scf.for %scan3A_329 = %scan3A_324 to %scan3A_326 step %scan3A_327  : i32 {
        %mul3A_330 = arith.constant 32 : i32
        %mul3A_331 = arith.muli %scan3A_329, %mul3A_330 : i32
        %add3A_332 = arith.constant 0 : i32
        %add3A_333 = arith.addi %mul3A_331, %add3A_332 : i32
        %get3A = arith.constant 1 : i32
        %get3A_334 = arith.index_cast %get3A : i32 to index
        %get3A_335 = arith.index_cast %add3A_333 : i32 to index
        %get3A_336 = arith.constant 0 : index
        %get3A_337 = tpu.vector_load %arg6[%get3A_334, %get3A_335, %get3A_336] {strides = array<i32>} : memref<2x1024x64xbf16, #tpu.memory_space<vmem>>, vector<1x1x32xbf16>,
        %get3A_338 = vector.shape_cast %get3A_337 : vector<1x1x32xbf16> to vector<32xbf16>
        %add3A_339 = arith.constant 0 : i32
        %add3A_340 = arith.addi %mul3A_331, %add3A_339 : i32
        %get3A_341 = arith.constant 1 : i32
        %get3A_342 = arith.index_cast %get3A_341 : i32 to index
        %get3A_343 = arith.index_cast %add3A_340 : i32 to index
        %get3A_344 = arith.constant 32 : index
        %get3A_345 = tpu.vector_load %arg6[%get3A_342, %get3A_343, %get3A_344] {strides = array<i32>} : memref<2x1024x64xbf16, #tpu.memory_space<vmem>>, vector<1x1x32xbf16>,
        %get3A_346 = vector.shape_cast %get3A_345 : vector<1x1x32xbf16> to vector<32xbf16>
        %add3A_347 = arith.constant 1 : i32
        %add3A_348 = arith.addi %mul3A_331, %add3A_347 : i32
        %get3A_349 = arith.constant 1 : i32
        %get3A_350 = arith.index_cast %get3A_349 : i32 to index
        %get3A_351 = arith.index_cast %add3A_348 : i32 to index
        %get3A_352 = arith.constant 0 : index
        %get3A_353 = tpu.vector_load %arg6[%get3A_350, %get3A_351, %get3A_352] {strides = array<i32>} : memref<2x1024x64xbf16, #tpu.memory_space<vmem>>, vector<1x1x32xbf16>,
        %get3A_354 = vector.shape_cast %get3A_353 : vector<1x1x32xbf16> to vector<32xbf16>
        %add3A_355 = arith.constant 1 : i32
        %add3A_356 = arith.addi %mul3A_331, %add3A_355 : i32
        %get3A_357 = arith.constant 1 : i32
        %get3A_358 = arith.index_cast %get3A_357 : i32 to index
        %get3A_359 = arith.index_cast %add3A_356 : i32 to index
        %get3A_360 = arith.constant 32 : index
        %get3A_361 = tpu.vector_load %arg6[%get3A_358, %get3A_359, %get3A_360] {strides = array<i32>} : memref<2x1024x64xbf16, #tpu.memory_space<vmem>>, vector<1x1x32xbf16>,
        %get3A_362 = vector.shape_cast %get3A_361 : vector<1x1x32xbf16> to vector<32xbf16>
        %add3A_363 = arith.constant 2 : i32
        %add3A_364 = arith.addi %mul3A_331, %add3A_363 : i32
        %get3A_365 = arith.constant 1 : i32
        %get3A_366 = arith.index_cast %get3A_365 : i32 to index
        %get3A_367 = arith.index_cast %add3A_364 : i32 to index
        %get3A_368 = arith.constant 0 : index
        %get3A_369 = tpu.vector_load %arg6[%get3A_366, %get3A_367, %get3A_368] {strides = array<i32>} : memref<2x1024x64xbf16, #tpu.memory_space<vmem>>, vector<1x1x32xbf16>,
        %get3A_370 = vector.shape_cast %get3A_369 : vector<1x1x32xbf16> to vector<32xbf16>
        %add3A_371 = arith.constant 2 : i32
        %add3A_372 = arith.addi %mul3A_331, %add3A_371 : i32
        %get3A_373 = arith.constant 1 : i32
        %get3A_374 = arith.index_cast %get3A_373 : i32 to index
        %get3A_375 = arith.index_cast %add3A_372 : i32 to index
        %get3A_376 = arith.constant 32 : index
        %get3A_377 = tpu.vector_load %arg6[%get3A_374, %get3A_375, %get3A_376] {strides = array<i32>} : memref<2x1024x64xbf16, #tpu.memory_space<vmem>>, vector<1x1x32xbf16>,
        %get3A_378 = vector.shape_cast %get3A_377 : vector<1x1x32xbf16> to vector<32xbf16>
        %add3A_379 = arith.constant 3 : i32
        %add3A_380 = arith.addi %mul3A_331, %add3A_379 : i32
        %get3A_381 = arith.constant 1 : i32
        %get3A_382 = arith.index_cast %get3A_381 : i32 to index
        %get3A_383 = arith.index_cast %add3A_380 : i32 to index
        %get3A_384 = arith.constant 0 : index
        %get3A_385 = tpu.vector_load %arg6[%get3A_382, %get3A_383, %get3A_384] {strides = array<i32>} : memref<2x1024x64xbf16, #tpu.memory_space<vmem>>, vector<1x1x32xbf16>,
        %get3A_386 = vector.shape_cast %get3A_385 : vector<1x1x32xbf16> to vector<32xbf16>
        %add3A_387 = arith.constant 3 : i32
        %add3A_388 = arith.addi %mul3A_331, %add3A_387 : i32
        %get3A_389 = arith.constant 1 : i32
        %get3A_390 = arith.index_cast %get3A_389 : i32 to index
        %get3A_391 = arith.index_cast %add3A_388 : i32 to index
        %get3A_392 = arith.constant 32 : index
        %get3A_393 = tpu.vector_load %arg6[%get3A_390, %get3A_391, %get3A_392] {strides = array<i32>} : memref<2x1024x64xbf16, #tpu.memory_space<vmem>>, vector<1x1x32xbf16>,
        %get3A_394 = vector.shape_cast %get3A_393 : vector<1x1x32xbf16> to vector<32xbf16>
        %add3A_395 = arith.constant 4 : i32
        %add3A_396 = arith.addi %mul3A_331, %add3A_395 : i32
        %get3A_397 = arith.constant 1 : i32
        %get3A_398 = arith.index_cast %get3A_397 : i32 to index
        %get3A_399 = arith.index_cast %add3A_396 : i32 to index
        %get3A_400 = arith.constant 0 : index
        %get3A_401 = tpu.vector_load %arg6[%get3A_398, %get3A_399, %get3A_400] {strides = array<i32>} : memref<2x1024x64xbf16, #tpu.memory_space<vmem>>, vector<1x1x32xbf16>,
        %get3A_402 = vector.shape_cast %get3A_401 : vector<1x1x32xbf16> to vector<32xbf16>
        %add3A_403 = arith.constant 4 : i32
        %add3A_404 = arith.addi %mul3A_331, %add3A_403 : i32
        %get3A_405 = arith.constant 1 : i32
        %get3A_406 = arith.index_cast %get3A_405 : i32 to index
        %get3A_407 = arith.index_cast %add3A_404 : i32 to index
        %get3A_408 = arith.constant 32 : index
        %get3A_409 = tpu.vector_load %arg6[%get3A_406, %get3A_407, %get3A_408] {strides = array<i32>} : memref<2x1024x64xbf16, #tpu.memory_space<vmem>>, vector<1x1x32xbf16>,
        %get3A_410 = vector.shape_cast %get3A_409 : vector<1x1x32xbf16> to vector<32xbf16>
        %add3A_411 = arith.constant 5 : i32
        %add3A_412 = arith.addi %mul3A_331, %add3A_411 : i32
        %get3A_413 = arith.constant 1 : i32
        %get3A_414 = arith.index_cast %get3A_413 : i32 to index
        %get3A_415 = arith.index_cast %add3A_412 : i32 to index
        %get3A_416 = arith.constant 0 : index
        %get3A_417 = tpu.vector_load %arg6[%get3A_414, %get3A_415, %get3A_416] {strides = array<i32>} : memref<2x1024x64xbf16, #tpu.memory_space<vmem>>, vector<1x1x32xbf16>,
        %get3A_418 = vector.shape_cast %get3A_417 : vector<1x1x32xbf16> to vector<32xbf16>
        %add3A_419 = arith.constant 5 : i32
        %add3A_420 = arith.addi %mul3A_331, %add3A_419 : i32
        %get3A_421 = arith.constant 1 : i32
        %get3A_422 = arith.index_cast %get3A_421 : i32 to index
        %get3A_423 = arith.index_cast %add3A_420 : i32 to index
        %get3A_424 = arith.constant 32 : index
        %get3A_425 = tpu.vector_load %arg6[%get3A_422, %get3A_423, %get3A_424] {strides = array<i32>} : memref<2x1024x64xbf16, #tpu.memory_space<vmem>>, vector<1x1x32xbf16>,
        %get3A_426 = vector.shape_cast %get3A_425 : vector<1x1x32xbf16> to vector<32xbf16>
        %add3A_427 = arith.constant 6 : i32
        %add3A_428 = arith.addi %mul3A_331, %add3A_427 : i32
        %get3A_429 = arith.constant 1 : i32
        %get3A_430 = arith.index_cast %get3A_429 : i32 to index
        %get3A_431 = arith.index_cast %add3A_428 : i32 to index
        %get3A_432 = arith.constant 0 : index
        %get3A_433 = tpu.vector_load %arg6[%get3A_430, %get3A_431, %get3A_432] {strides = array<i32>} : memref<2x1024x64xbf16, #tpu.memory_space<vmem>>, vector<1x1x32xbf16>,
        %get3A_434 = vector.shape_cast %get3A_433 : vector<1x1x32xbf16> to vector<32xbf16>
        %add3A_435 = arith.constant 6 : i32
        %add3A_436 = arith.addi %mul3A_331, %add3A_435 : i32
        %get3A_437 = arith.constant 1 : i32
        %get3A_438 = arith.index_cast %get3A_437 : i32 to index
        %get3A_439 = arith.index_cast %add3A_436 : i32 to index
        %get3A_440 = arith.constant 32 : index
        %get3A_441 = tpu.vector_load %arg6[%get3A_438, %get3A_439, %get3A_440] {strides = array<i32>} : memref<2x1024x64xbf16, #tpu.memory_space<vmem>>, vector<1x1x32xbf16>,
        %get3A_442 = vector.shape_cast %get3A_441 : vector<1x1x32xbf16> to vector<32xbf16>
        %add3A_443 = arith.constant 7 : i32
        %add3A_444 = arith.addi %mul3A_331, %add3A_443 : i32
        %get3A_445 = arith.constant 1 : i32
        %get3A_446 = arith.index_cast %get3A_445 : i32 to index
        %get3A_447 = arith.index_cast %add3A_444 : i32 to index
        %get3A_448 = arith.constant 0 : index
        %get3A_449 = tpu.vector_load %arg6[%get3A_446, %get3A_447, %get3A_448] {strides = array<i32>} : memref<2x1024x64xbf16, #tpu.memory_space<vmem>>, vector<1x1x32xbf16>,
        %get3A_450 = vector.shape_cast %get3A_449 : vector<1x1x32xbf16> to vector<32xbf16>
        %add3A_451 = arith.constant 7 : i32
        %add3A_452 = arith.addi %mul3A_331, %add3A_451 : i32
        %get3A_453 = arith.constant 1 : i32
        %get3A_454 = arith.index_cast %get3A_453 : i32 to index
        %get3A_455 = arith.index_cast %add3A_452 : i32 to index
        %get3A_456 = arith.constant 32 : index
        %get3A_457 = tpu.vector_load %arg6[%get3A_454, %get3A_455, %get3A_456] {strides = array<i32>} : memref<2x1024x64xbf16, #tpu.memory_space<vmem>>, vector<1x1x32xbf16>,
        %get3A_458 = vector.shape_cast %get3A_457 : vector<1x1x32xbf16> to vector<32xbf16>
        %add3A_459 = arith.constant 8 : i32
        %add3A_460 = arith.addi %mul3A_331, %add3A_459 : i32
        %get3A_461 = arith.constant 1 : i32
        %get3A_462 = arith.index_cast %get3A_461 : i32 to index
        %get3A_463 = arith.index_cast %add3A_460 : i32 to index
        %get3A_464 = arith.constant 0 : index
        %get3A_465 = tpu.vector_load %arg6[%get3A_462, %get3A_463, %get3A_464] {strides = array<i32>} : memref<2x1024x64xbf16, #tpu.memory_space<vmem>>, vector<1x1x32xbf16>,
        %get3A_466 = vector.shape_cast %get3A_465 : vector<1x1x32xbf16> to vector<32xbf16>
        %add3A_467 = arith.constant 8 : i32
        %add3A_468 = arith.addi %mul3A_331, %add3A_467 : i32
        %get3A_469 = arith.constant 1 : i32
        %get3A_470 = arith.index_cast %get3A_469 : i32 to index
        %get3A_471 = arith.index_cast %add3A_468 : i32 to index
        %get3A_472 = arith.constant 32 : index
        %get3A_473 = tpu.vector_load %arg6[%get3A_470, %get3A_471, %get3A_472] {strides = array<i32>} : memref<2x1024x64xbf16, #tpu.memory_space<vmem>>, vector<1x1x32xbf16>,
        %get3A_474 = vector.shape_cast %get3A_473 : vector<1x1x32xbf16> to vector<32xbf16>
        %add3A_475 = arith.constant 9 : i32
        %add3A_476 = arith.addi %mul3A_331, %add3A_475 : i32
        %get3A_477 = arith.constant 1 : i32
        %get3A_478 = arith.index_cast %get3A_477 : i32 to index
        %get3A_479 = arith.index_cast %add3A_476 : i32 to index
        %get3A_480 = arith.constant 0 : index
        %get3A_481 = tpu.vector_load %arg6[%get3A_478, %get3A_479, %get3A_480] {strides = array<i32>} : memref<2x1024x64xbf16, #tpu.memory_space<vmem>>, vector<1x1x32xbf16>,
        %get3A_482 = vector.shape_cast %get3A_481 : vector<1x1x32xbf16> to vector<32xbf16>
        %add3A_483 = arith.constant 9 : i32
        %add3A_484 = arith.addi %mul3A_331, %add3A_483 : i32
        %get3A_485 = arith.constant 1 : i32
        %get3A_486 = arith.index_cast %get3A_485 : i32 to index
        %get3A_487 = arith.index_cast %add3A_484 : i32 to index
        %get3A_488 = arith.constant 32 : index
        %get3A_489 = tpu.vector_load %arg6[%get3A_486, %get3A_487, %get3A_488] {strides = array<i32>} : memref<2x1024x64xbf16, #tpu.memory_space<vmem>>, vector<1x1x32xbf16>,
        %get3A_490 = vector.shape_cast %get3A_489 : vector<1x1x32xbf16> to vector<32xbf16>
        %add3A_491 = arith.constant 10 : i32
        %add3A_492 = arith.addi %mul3A_331, %add3A_491 : i32
        %get3A_493 = arith.constant 1 : i32
        %get3A_494 = arith.index_cast %get3A_493 : i32 to index
        %get3A_495 = arith.index_cast %add3A_492 : i32 to index
        %get3A_496 = arith.constant 0 : index
        %get3A_497 = tpu.vector_load %arg6[%get3A_494, %get3A_495, %get3A_496] {strides = array<i32>} : memref<2x1024x64xbf16, #tpu.memory_space<vmem>>, vector<1x1x32xbf16>,
        %get3A_498 = vector.shape_cast %get3A_497 : vector<1x1x32xbf16> to vector<32xbf16>
        %add3A_499 = arith.constant 10 : i32
        %add3A_500 = arith.addi %mul3A_331, %add3A_499 : i32
        %get3A_501 = arith.constant 1 : i32
        %get3A_502 = arith.index_cast %get3A_501 : i32 to index
        %get3A_503 = arith.index_cast %add3A_500 : i32 to index
        %get3A_504 = arith.constant 32 : index
        %get3A_505 = tpu.vector_load %arg6[%get3A_502, %get3A_503, %get3A_504] {strides = array<i32>} : memref<2x1024x64xbf16, #tpu.memory_space<vmem>>, vector<1x1x32xbf16>,
        %get3A_506 = vector.shape_cast %get3A_505 : vector<1x1x32xbf16> to vector<32xbf16>
        %add3A_507 = arith.constant 11 : i32
        %add3A_508 = arith.addi %mul3A_331, %add3A_507 : i32
        %get3A_509 = arith.constant 1 : i32
        %get3A_510 = arith.index_cast %get3A_509 : i32 to index
        %get3A_511 = arith.index_cast %add3A_508 : i32 to index
        %get3A_512 = arith.constant 0 : index
        %get3A_513 = tpu.vector_load %arg6[%get3A_510, %get3A_511, %get3A_512] {strides = array<i32>} : memref<2x1024x64xbf16, #tpu.memory_space<vmem>>, vector<1x1x32xbf16>,
        %get3A_514 = vector.shape_cast %get3A_513 : vector<1x1x32xbf16> to vector<32xbf16>
        %add3A_515 = arith.constant 11 : i32
        %add3A_516 = arith.addi %mul3A_331, %add3A_515 : i32
        %get3A_517 = arith.constant 1 : i32
        %get3A_518 = arith.index_cast %get3A_517 : i32 to index
        %get3A_519 = arith.index_cast %add3A_516 : i32 to index
        %get3A_520 = arith.constant 32 : index
        %get3A_521 = tpu.vector_load %arg6[%get3A_518, %get3A_519, %get3A_520] {strides = array<i32>} : memref<2x1024x64xbf16, #tpu.memory_space<vmem>>, vector<1x1x32xbf16>,
        %get3A_522 = vector.shape_cast %get3A_521 : vector<1x1x32xbf16> to vector<32xbf16>
        %add3A_523 = arith.constant 12 : i32
        %add3A_524 = arith.addi %mul3A_331, %add3A_523 : i32
        %get3A_525 = arith.constant 1 : i32
        %get3A_526 = arith.index_cast %get3A_525 : i32 to index
        %get3A_527 = arith.index_cast %add3A_524 : i32 to index
        %get3A_528 = arith.constant 0 : index
        %get3A_529 = tpu.vector_load %arg6[%get3A_526, %get3A_527, %get3A_528] {strides = array<i32>} : memref<2x1024x64xbf16, #tpu.memory_space<vmem>>, vector<1x1x32xbf16>,
        %get3A_530 = vector.shape_cast %get3A_529 : vector<1x1x32xbf16> to vector<32xbf16>
        %add3A_531 = arith.constant 12 : i32
        %add3A_532 = arith.addi %mul3A_331, %add3A_531 : i32
        %get3A_533 = arith.constant 1 : i32
        %get3A_534 = arith.index_cast %get3A_533 : i32 to index
        %get3A_535 = arith.index_cast %add3A_532 : i32 to index
        %get3A_536 = arith.constant 32 : index
        %get3A_537 = tpu.vector_load %arg6[%get3A_534, %get3A_535, %get3A_536] {strides = array<i32>} : memref<2x1024x64xbf16, #tpu.memory_space<vmem>>, vector<1x1x32xbf16>,
        %get3A_538 = vector.shape_cast %get3A_537 : vector<1x1x32xbf16> to vector<32xbf16>
        %add3A_539 = arith.constant 13 : i32
        %add3A_540 = arith.addi %mul3A_331, %add3A_539 : i32
        %get3A_541 = arith.constant 1 : i32
        %get3A_542 = arith.index_cast %get3A_541 : i32 to index
        %get3A_543 = arith.index_cast %add3A_540 : i32 to index
        %get3A_544 = arith.constant 0 : index
        %get3A_545 = tpu.vector_load %arg6[%get3A_542, %get3A_543, %get3A_544] {strides = array<i32>} : memref<2x1024x64xbf16, #tpu.memory_space<vmem>>, vector<1x1x32xbf16>,
        %get3A_546 = vector.shape_cast %get3A_545 : vector<1x1x32xbf16> to vector<32xbf16>
        %add3A_547 = arith.constant 13 : i32
        %add3A_548 = arith.addi %mul3A_331, %add3A_547 : i32
        %get3A_549 = arith.constant 1 : i32
        %get3A_550 = arith.index_cast %get3A_549 : i32 to index
        %get3A_551 = arith.index_cast %add3A_548 : i32 to index
        %get3A_552 = arith.constant 32 : index
        %get3A_553 = tpu.vector_load %arg6[%get3A_550, %get3A_551, %get3A_552] {strides = array<i32>} : memref<2x1024x64xbf16, #tpu.memory_space<vmem>>, vector<1x1x32xbf16>,
        %get3A_554 = vector.shape_cast %get3A_553 : vector<1x1x32xbf16> to vector<32xbf16>
        %add3A_555 = arith.constant 14 : i32
        %add3A_556 = arith.addi %mul3A_331, %add3A_555 : i32
        %get3A_557 = arith.constant 1 : i32
        %get3A_558 = arith.index_cast %get3A_557 : i32 to index
        %get3A_559 = arith.index_cast %add3A_556 : i32 to index
        %get3A_560 = arith.constant 0 : index
        %get3A_561 = tpu.vector_load %arg6[%get3A_558, %get3A_559, %get3A_560] {strides = array<i32>} : memref<2x1024x64xbf16, #tpu.memory_space<vmem>>, vector<1x1x32xbf16>,
        %get3A_562 = vector.shape_cast %get3A_561 : vector<1x1x32xbf16> to vector<32xbf16>
        %add3A_563 = arith.constant 14 : i32
        %add3A_564 = arith.addi %mul3A_331, %add3A_563 : i32
        %get3A_565 = arith.constant 1 : i32
        %get3A_566 = arith.index_cast %get3A_565 : i32 to index
        %get3A_567 = arith.index_cast %add3A_564 : i32 to index
        %get3A_568 = arith.constant 32 : index
        %get3A_569 = tpu.vector_load %arg6[%get3A_566, %get3A_567, %get3A_568] {strides = array<i32>} : memref<2x1024x64xbf16, #tpu.memory_space<vmem>>, vector<1x1x32xbf16>,
        %get3A_570 = vector.shape_cast %get3A_569 : vector<1x1x32xbf16> to vector<32xbf16>
        %add3A_571 = arith.constant 15 : i32
        %add3A_572 = arith.addi %mul3A_331, %add3A_571 : i32
        %get3A_573 = arith.constant 1 : i32
        %get3A_574 = arith.index_cast %get3A_573 : i32 to index
        %get3A_575 = arith.index_cast %add3A_572 : i32 to index
        %get3A_576 = arith.constant 0 : index
        %get3A_577 = tpu.vector_load %arg6[%get3A_574, %get3A_575, %get3A_576] {strides = array<i32>} : memref<2x1024x64xbf16, #tpu.memory_space<vmem>>, vector<1x1x32xbf16>,
        %get3A_578 = vector.shape_cast %get3A_577 : vector<1x1x32xbf16> to vector<32xbf16>
        %add3A_579 = arith.constant 15 : i32
        %add3A_580 = arith.addi %mul3A_331, %add3A_579 : i32
        %get3A_581 = arith.constant 1 : i32
        %get3A_582 = arith.index_cast %get3A_581 : i32 to index
        %get3A_583 = arith.index_cast %add3A_580 : i32 to index
        %get3A_584 = arith.constant 32 : index
        %get3A_585 = tpu.vector_load %arg6[%get3A_582, %get3A_583, %get3A_584] {strides = array<i32>} : memref<2x1024x64xbf16, #tpu.memory_space<vmem>>, vector<1x1x32xbf16>,
        %get3A_586 = vector.shape_cast %get3A_585 : vector<1x1x32xbf16> to vector<32xbf16>
        %add3A_587 = arith.constant 16 : i32
        %add3A_588 = arith.addi %mul3A_331, %add3A_587 : i32
        %get3A_589 = arith.constant 1 : i32
        %get3A_590 = arith.index_cast %get3A_589 : i32 to index
        %get3A_591 = arith.index_cast %add3A_588 : i32 to index
        %get3A_592 = arith.constant 0 : index
        %get3A_593 = tpu.vector_load %arg6[%get3A_590, %get3A_591, %get3A_592] {strides = array<i32>} : memref<2x1024x64xbf16, #tpu.memory_space<vmem>>, vector<1x1x32xbf16>,
        %get3A_594 = vector.shape_cast %get3A_593 : vector<1x1x32xbf16> to vector<32xbf16>
        %add3A_595 = arith.constant 16 : i32
        %add3A_596 = arith.addi %mul3A_331, %add3A_595 : i32
        %get3A_597 = arith.constant 1 : i32
        %get3A_598 = arith.index_cast %get3A_597 : i32 to index
        %get3A_599 = arith.index_cast %add3A_596 : i32 to index
        %get3A_600 = arith.constant 32 : index
        %get3A_601 = tpu.vector_load %arg6[%get3A_598, %get3A_599, %get3A_600] {strides = array<i32>} : memref<2x1024x64xbf16, #tpu.memory_space<vmem>>, vector<1x1x32xbf16>,
        %get3A_602 = vector.shape_cast %get3A_601 : vector<1x1x32xbf16> to vector<32xbf16>
        %add3A_603 = arith.constant 17 : i32
        %add3A_604 = arith.addi %mul3A_331, %add3A_603 : i32
        %get3A_605 = arith.constant 1 : i32
        %get3A_606 = arith.index_cast %get3A_605 : i32 to index
        %get3A_607 = arith.index_cast %add3A_604 : i32 to index
        %get3A_608 = arith.constant 0 : index
        %get3A_609 = tpu.vector_load %arg6[%get3A_606, %get3A_607, %get3A_608] {strides = array<i32>} : memref<2x1024x64xbf16, #tpu.memory_space<vmem>>, vector<1x1x32xbf16>,
        %get3A_610 = vector.shape_cast %get3A_609 : vector<1x1x32xbf16> to vector<32xbf16>
        %add3A_611 = arith.constant 17 : i32
        %add3A_612 = arith.addi %mul3A_331, %add3A_611 : i32
        %get3A_613 = arith.constant 1 : i32
        %get3A_614 = arith.index_cast %get3A_613 : i32 to index
        %get3A_615 = arith.index_cast %add3A_612 : i32 to index
        %get3A_616 = arith.constant 32 : index
        %get3A_617 = tpu.vector_load %arg6[%get3A_614, %get3A_615, %get3A_616] {strides = array<i32>} : memref<2x1024x64xbf16, #tpu.memory_space<vmem>>, vector<1x1x32xbf16>,
        %get3A_618 = vector.shape_cast %get3A_617 : vector<1x1x32xbf16> to vector<32xbf16>
        %add3A_619 = arith.constant 18 : i32
        %add3A_620 = arith.addi %mul3A_331, %add3A_619 : i32
        %get3A_621 = arith.constant 1 : i32
        %get3A_622 = arith.index_cast %get3A_621 : i32 to index
        %get3A_623 = arith.index_cast %add3A_620 : i32 to index
        %get3A_624 = arith.constant 0 : index
        %get3A_625 = tpu.vector_load %arg6[%get3A_622, %get3A_623, %get3A_624] {strides = array<i32>} : memref<2x1024x64xbf16, #tpu.memory_space<vmem>>, vector<1x1x32xbf16>,
        %get3A_626 = vector.shape_cast %get3A_625 : vector<1x1x32xbf16> to vector<32xbf16>
        %add3A_627 = arith.constant 18 : i32
        %add3A_628 = arith.addi %mul3A_331, %add3A_627 : i32
        %get3A_629 = arith.constant 1 : i32
        %get3A_630 = arith.index_cast %get3A_629 : i32 to index
        %get3A_631 = arith.index_cast %add3A_628 : i32 to index
        %get3A_632 = arith.constant 32 : index
        %get3A_633 = tpu.vector_load %arg6[%get3A_630, %get3A_631, %get3A_632] {strides = array<i32>} : memref<2x1024x64xbf16, #tpu.memory_space<vmem>>, vector<1x1x32xbf16>,
        %get3A_634 = vector.shape_cast %get3A_633 : vector<1x1x32xbf16> to vector<32xbf16>
        %add3A_635 = arith.constant 19 : i32
        %add3A_636 = arith.addi %mul3A_331, %add3A_635 : i32
        %get3A_637 = arith.constant 1 : i32
        %get3A_638 = arith.index_cast %get3A_637 : i32 to index
        %get3A_639 = arith.index_cast %add3A_636 : i32 to index
        %get3A_640 = arith.constant 0 : index
        %get3A_641 = tpu.vector_load %arg6[%get3A_638, %get3A_639, %get3A_640] {strides = array<i32>} : memref<2x1024x64xbf16, #tpu.memory_space<vmem>>, vector<1x1x32xbf16>,
        %get3A_642 = vector.shape_cast %get3A_641 : vector<1x1x32xbf16> to vector<32xbf16>
        %add3A_643 = arith.constant 19 : i32
        %add3A_644 = arith.addi %mul3A_331, %add3A_643 : i32
        %get3A_645 = arith.constant 1 : i32
        %get3A_646 = arith.index_cast %get3A_645 : i32 to index
        %get3A_647 = arith.index_cast %add3A_644 : i32 to index
        %get3A_648 = arith.constant 32 : index
        %get3A_649 = tpu.vector_load %arg6[%get3A_646, %get3A_647, %get3A_648] {strides = array<i32>} : memref<2x1024x64xbf16, #tpu.memory_space<vmem>>, vector<1x1x32xbf16>,
        %get3A_650 = vector.shape_cast %get3A_649 : vector<1x1x32xbf16> to vector<32xbf16>
        %add3A_651 = arith.constant 20 : i32
        %add3A_652 = arith.addi %mul3A_331, %add3A_651 : i32
        %get3A_653 = arith.constant 1 : i32
        %get3A_654 = arith.index_cast %get3A_653 : i32 to index
        %get3A_655 = arith.index_cast %add3A_652 : i32 to index
        %get3A_656 = arith.constant 0 : index
        %get3A_657 = tpu.vector_load %arg6[%get3A_654, %get3A_655, %get3A_656] {strides = array<i32>} : memref<2x1024x64xbf16, #tpu.memory_space<vmem>>, vector<1x1x32xbf16>,
        %get3A_658 = vector.shape_cast %get3A_657 : vector<1x1x32xbf16> to vector<32xbf16>
        %add3A_659 = arith.constant 20 : i32
        %add3A_660 = arith.addi %mul3A_331, %add3A_659 : i32
        %get3A_661 = arith.constant 1 : i32
        %get3A_662 = arith.index_cast %get3A_661 : i32 to index
        %get3A_663 = arith.index_cast %add3A_660 : i32 to index
        %get3A_664 = arith.constant 32 : index
        %get3A_665 = tpu.vector_load %arg6[%get3A_662, %get3A_663, %get3A_664] {strides = array<i32>} : memref<2x1024x64xbf16, #tpu.memory_space<vmem>>, vector<1x1x32xbf16>,
        %get3A_666 = vector.shape_cast %get3A_665 : vector<1x1x32xbf16> to vector<32xbf16>
        %add3A_667 = arith.constant 21 : i32
        %add3A_668 = arith.addi %mul3A_331, %add3A_667 : i32
        %get3A_669 = arith.constant 1 : i32
        %get3A_670 = arith.index_cast %get3A_669 : i32 to index
        %get3A_671 = arith.index_cast %add3A_668 : i32 to index
        %get3A_672 = arith.constant 0 : index
        %get3A_673 = tpu.vector_load %arg6[%get3A_670, %get3A_671, %get3A_672] {strides = array<i32>} : memref<2x1024x64xbf16, #tpu.memory_space<vmem>>, vector<1x1x32xbf16>,
        %get3A_674 = vector.shape_cast %get3A_673 : vector<1x1x32xbf16> to vector<32xbf16>
        %add3A_675 = arith.constant 21 : i32
        %add3A_676 = arith.addi %mul3A_331, %add3A_675 : i32
        %get3A_677 = arith.constant 1 : i32
        %get3A_678 = arith.index_cast %get3A_677 : i32 to index
        %get3A_679 = arith.index_cast %add3A_676 : i32 to index
        %get3A_680 = arith.constant 32 : index
        %get3A_681 = tpu.vector_load %arg6[%get3A_678, %get3A_679, %get3A_680] {strides = array<i32>} : memref<2x1024x64xbf16, #tpu.memory_space<vmem>>, vector<1x1x32xbf16>,
        %get3A_682 = vector.shape_cast %get3A_681 : vector<1x1x32xbf16> to vector<32xbf16>
        %add3A_683 = arith.constant 22 : i32
        %add3A_684 = arith.addi %mul3A_331, %add3A_683 : i32
        %get3A_685 = arith.constant 1 : i32
        %get3A_686 = arith.index_cast %get3A_685 : i32 to index
        %get3A_687 = arith.index_cast %add3A_684 : i32 to index
        %get3A_688 = arith.constant 0 : index
        %get3A_689 = tpu.vector_load %arg6[%get3A_686, %get3A_687, %get3A_688] {strides = array<i32>} : memref<2x1024x64xbf16, #tpu.memory_space<vmem>>, vector<1x1x32xbf16>,
        %get3A_690 = vector.shape_cast %get3A_689 : vector<1x1x32xbf16> to vector<32xbf16>
        %add3A_691 = arith.constant 22 : i32
        %add3A_692 = arith.addi %mul3A_331, %add3A_691 : i32
        %get3A_693 = arith.constant 1 : i32
        %get3A_694 = arith.index_cast %get3A_693 : i32 to index
        %get3A_695 = arith.index_cast %add3A_692 : i32 to index
        %get3A_696 = arith.constant 32 : index
        %get3A_697 = tpu.vector_load %arg6[%get3A_694, %get3A_695, %get3A_696] {strides = array<i32>} : memref<2x1024x64xbf16, #tpu.memory_space<vmem>>, vector<1x1x32xbf16>,
        %get3A_698 = vector.shape_cast %get3A_697 : vector<1x1x32xbf16> to vector<32xbf16>
        %add3A_699 = arith.constant 23 : i32
        %add3A_700 = arith.addi %mul3A_331, %add3A_699 : i32
        %get3A_701 = arith.constant 1 : i32
        %get3A_702 = arith.index_cast %get3A_701 : i32 to index
        %get3A_703 = arith.index_cast %add3A_700 : i32 to index
        %get3A_704 = arith.constant 0 : index
        %get3A_705 = tpu.vector_load %arg6[%get3A_702, %get3A_703, %get3A_704] {strides = array<i32>} : memref<2x1024x64xbf16, #tpu.memory_space<vmem>>, vector<1x1x32xbf16>,
        %get3A_706 = vector.shape_cast %get3A_705 : vector<1x1x32xbf16> to vector<32xbf16>
        %add3A_707 = arith.constant 23 : i32
        %add3A_708 = arith.addi %mul3A_331, %add3A_707 : i32
        %get3A_709 = arith.constant 1 : i32
        %get3A_710 = arith.index_cast %get3A_709 : i32 to index
        %get3A_711 = arith.index_cast %add3A_708 : i32 to index
        %get3A_712 = arith.constant 32 : index
        %get3A_713 = tpu.vector_load %arg6[%get3A_710, %get3A_711, %get3A_712] {strides = array<i32>} : memref<2x1024x64xbf16, #tpu.memory_space<vmem>>, vector<1x1x32xbf16>,
        %get3A_714 = vector.shape_cast %get3A_713 : vector<1x1x32xbf16> to vector<32xbf16>
        %add3A_715 = arith.constant 24 : i32
        %add3A_716 = arith.addi %mul3A_331, %add3A_715 : i32
        %get3A_717 = arith.constant 1 : i32
        %get3A_718 = arith.index_cast %get3A_717 : i32 to index
        %get3A_719 = arith.index_cast %add3A_716 : i32 to index
        %get3A_720 = arith.constant 0 : index
        %get3A_721 = tpu.vector_load %arg6[%get3A_718, %get3A_719, %get3A_720] {strides = array<i32>} : memref<2x1024x64xbf16, #tpu.memory_space<vmem>>, vector<1x1x32xbf16>,
        %get3A_722 = vector.shape_cast %get3A_721 : vector<1x1x32xbf16> to vector<32xbf16>
        %add3A_723 = arith.constant 24 : i32
        %add3A_724 = arith.addi %mul3A_331, %add3A_723 : i32
        %get3A_725 = arith.constant 1 : i32
        %get3A_726 = arith.index_cast %get3A_725 : i32 to index
        %get3A_727 = arith.index_cast %add3A_724 : i32 to index
        %get3A_728 = arith.constant 32 : index
        %get3A_729 = tpu.vector_load %arg6[%get3A_726, %get3A_727, %get3A_728] {strides = array<i32>} : memref<2x1024x64xbf16, #tpu.memory_space<vmem>>, vector<1x1x32xbf16>,
        %get3A_730 = vector.shape_cast %get3A_729 : vector<1x1x32xbf16> to vector<32xbf16>
        %add3A_731 = arith.constant 25 : i32
        %add3A_732 = arith.addi %mul3A_331, %add3A_731 : i32
        %get3A_733 = arith.constant 1 : i32
        %get3A_734 = arith.index_cast %get3A_733 : i32 to index
        %get3A_735 = arith.index_cast %add3A_732 : i32 to index
        %get3A_736 = arith.constant 0 : index
        %get3A_737 = tpu.vector_load %arg6[%get3A_734, %get3A_735, %get3A_736] {strides = array<i32>} : memref<2x1024x64xbf16, #tpu.memory_space<vmem>>, vector<1x1x32xbf16>,
        %get3A_738 = vector.shape_cast %get3A_737 : vector<1x1x32xbf16> to vector<32xbf16>
        %add3A_739 = arith.constant 25 : i32
        %add3A_740 = arith.addi %mul3A_331, %add3A_739 : i32
        %get3A_741 = arith.constant 1 : i32
        %get3A_742 = arith.index_cast %get3A_741 : i32 to index
        %get3A_743 = arith.index_cast %add3A_740 : i32 to index
        %get3A_744 = arith.constant 32 : index
        %get3A_745 = tpu.vector_load %arg6[%get3A_742, %get3A_743, %get3A_744] {strides = array<i32>} : memref<2x1024x64xbf16, #tpu.memory_space<vmem>>, vector<1x1x32xbf16>,
        %get3A_746 = vector.shape_cast %get3A_745 : vector<1x1x32xbf16> to vector<32xbf16>
        %add3A_747 = arith.constant 26 : i32
        %add3A_748 = arith.addi %mul3A_331, %add3A_747 : i32
        %get3A_749 = arith.constant 1 : i32
        %get3A_750 = arith.index_cast %get3A_749 : i32 to index
        %get3A_751 = arith.index_cast %add3A_748 : i32 to index
        %get3A_752 = arith.constant 0 : index
        %get3A_753 = tpu.vector_load %arg6[%get3A_750, %get3A_751, %get3A_752] {strides = array<i32>} : memref<2x1024x64xbf16, #tpu.memory_space<vmem>>, vector<1x1x32xbf16>,
        %get3A_754 = vector.shape_cast %get3A_753 : vector<1x1x32xbf16> to vector<32xbf16>
        %add3A_755 = arith.constant 26 : i32
        %add3A_756 = arith.addi %mul3A_331, %add3A_755 : i32
        %get3A_757 = arith.constant 1 : i32
        %get3A_758 = arith.index_cast %get3A_757 : i32 to index
        %get3A_759 = arith.index_cast %add3A_756 : i32 to index
        %get3A_760 = arith.constant 32 : index
        %get3A_761 = tpu.vector_load %arg6[%get3A_758, %get3A_759, %get3A_760] {strides = array<i32>} : memref<2x1024x64xbf16, #tpu.memory_space<vmem>>, vector<1x1x32xbf16>,
        %get3A_762 = vector.shape_cast %get3A_761 : vector<1x1x32xbf16> to vector<32xbf16>
        %add3A_763 = arith.constant 27 : i32
        %add3A_764 = arith.addi %mul3A_331, %add3A_763 : i32
        %get3A_765 = arith.constant 1 : i32
        %get3A_766 = arith.index_cast %get3A_765 : i32 to index
        %get3A_767 = arith.index_cast %add3A_764 : i32 to index
        %get3A_768 = arith.constant 0 : index
        %get3A_769 = tpu.vector_load %arg6[%get3A_766, %get3A_767, %get3A_768] {strides = array<i32>} : memref<2x1024x64xbf16, #tpu.memory_space<vmem>>, vector<1x1x32xbf16>,
        %get3A_770 = vector.shape_cast %get3A_769 : vector<1x1x32xbf16> to vector<32xbf16>
        %add3A_771 = arith.constant 27 : i32
        %add3A_772 = arith.addi %mul3A_331, %add3A_771 : i32
        %get3A_773 = arith.constant 1 : i32
        %get3A_774 = arith.index_cast %get3A_773 : i32 to index
        %get3A_775 = arith.index_cast %add3A_772 : i32 to index
        %get3A_776 = arith.constant 32 : index
        %get3A_777 = tpu.vector_load %arg6[%get3A_774, %get3A_775, %get3A_776] {strides = array<i32>} : memref<2x1024x64xbf16, #tpu.memory_space<vmem>>, vector<1x1x32xbf16>,
        %get3A_778 = vector.shape_cast %get3A_777 : vector<1x1x32xbf16> to vector<32xbf16>
        %add3A_779 = arith.constant 28 : i32
        %add3A_780 = arith.addi %mul3A_331, %add3A_779 : i32
        %get3A_781 = arith.constant 1 : i32
        %get3A_782 = arith.index_cast %get3A_781 : i32 to index
        %get3A_783 = arith.index_cast %add3A_780 : i32 to index
        %get3A_784 = arith.constant 0 : index
        %get3A_785 = tpu.vector_load %arg6[%get3A_782, %get3A_783, %get3A_784] {strides = array<i32>} : memref<2x1024x64xbf16, #tpu.memory_space<vmem>>, vector<1x1x32xbf16>,
        %get3A_786 = vector.shape_cast %get3A_785 : vector<1x1x32xbf16> to vector<32xbf16>
        %add3A_787 = arith.constant 28 : i32
        %add3A_788 = arith.addi %mul3A_331, %add3A_787 : i32
        %get3A_789 = arith.constant 1 : i32
        %get3A_790 = arith.index_cast %get3A_789 : i32 to index
        %get3A_791 = arith.index_cast %add3A_788 : i32 to index
        %get3A_792 = arith.constant 32 : index
        %get3A_793 = tpu.vector_load %arg6[%get3A_790, %get3A_791, %get3A_792] {strides = array<i32>} : memref<2x1024x64xbf16, #tpu.memory_space<vmem>>, vector<1x1x32xbf16>,
        %get3A_794 = vector.shape_cast %get3A_793 : vector<1x1x32xbf16> to vector<32xbf16>
        %add3A_795 = arith.constant 29 : i32
        %add3A_796 = arith.addi %mul3A_331, %add3A_795 : i32
        %get3A_797 = arith.constant 1 : i32
        %get3A_798 = arith.index_cast %get3A_797 : i32 to index
        %get3A_799 = arith.index_cast %add3A_796 : i32 to index
        %get3A_800 = arith.constant 0 : index
        %get3A_801 = tpu.vector_load %arg6[%get3A_798, %get3A_799, %get3A_800] {strides = array<i32>} : memref<2x1024x64xbf16, #tpu.memory_space<vmem>>, vector<1x1x32xbf16>,
        %get3A_802 = vector.shape_cast %get3A_801 : vector<1x1x32xbf16> to vector<32xbf16>
        %add3A_803 = arith.constant 29 : i32
        %add3A_804 = arith.addi %mul3A_331, %add3A_803 : i32
        %get3A_805 = arith.constant 1 : i32
        %get3A_806 = arith.index_cast %get3A_805 : i32 to index
        %get3A_807 = arith.index_cast %add3A_804 : i32 to index
        %get3A_808 = arith.constant 32 : index
        %get3A_809 = tpu.vector_load %arg6[%get3A_806, %get3A_807, %get3A_808] {strides = array<i32>} : memref<2x1024x64xbf16, #tpu.memory_space<vmem>>, vector<1x1x32xbf16>,
        %get3A_810 = vector.shape_cast %get3A_809 : vector<1x1x32xbf16> to vector<32xbf16>
        %add3A_811 = arith.constant 30 : i32
        %add3A_812 = arith.addi %mul3A_331, %add3A_811 : i32
        %get3A_813 = arith.constant 1 : i32
        %get3A_814 = arith.index_cast %get3A_813 : i32 to index
        %get3A_815 = arith.index_cast %add3A_812 : i32 to index
        %get3A_816 = arith.constant 0 : index
        %get3A_817 = tpu.vector_load %arg6[%get3A_814, %get3A_815, %get3A_816] {strides = array<i32>} : memref<2x1024x64xbf16, #tpu.memory_space<vmem>>, vector<1x1x32xbf16>,
        %get3A_818 = vector.shape_cast %get3A_817 : vector<1x1x32xbf16> to vector<32xbf16>
        %add3A_819 = arith.constant 30 : i32
        %add3A_820 = arith.addi %mul3A_331, %add3A_819 : i32
        %get3A_821 = arith.constant 1 : i32
        %get3A_822 = arith.index_cast %get3A_821 : i32 to index
        %get3A_823 = arith.index_cast %add3A_820 : i32 to index
        %get3A_824 = arith.constant 32 : index
        %get3A_825 = tpu.vector_load %arg6[%get3A_822, %get3A_823, %get3A_824] {strides = array<i32>} : memref<2x1024x64xbf16, #tpu.memory_space<vmem>>, vector<1x1x32xbf16>,
        %get3A_826 = vector.shape_cast %get3A_825 : vector<1x1x32xbf16> to vector<32xbf16>
        %add3A_827 = arith.constant 31 : i32
        %add3A_828 = arith.addi %mul3A_331, %add3A_827 : i32
        %get3A_829 = arith.constant 1 : i32
        %get3A_830 = arith.index_cast %get3A_829 : i32 to index
        %get3A_831 = arith.index_cast %add3A_828 : i32 to index
        %get3A_832 = arith.constant 0 : index
        %get3A_833 = tpu.vector_load %arg6[%get3A_830, %get3A_831, %get3A_832] {strides = array<i32>} : memref<2x1024x64xbf16, #tpu.memory_space<vmem>>, vector<1x1x32xbf16>,
        %get3A_834 = vector.shape_cast %get3A_833 : vector<1x1x32xbf16> to vector<32xbf16>
        %add3A_835 = arith.constant 31 : i32
        %add3A_836 = arith.addi %mul3A_331, %add3A_835 : i32
        %get3A_837 = arith.constant 1 : i32
        %get3A_838 = arith.index_cast %get3A_837 : i32 to index
        %get3A_839 = arith.index_cast %add3A_836 : i32 to index
        %get3A_840 = arith.constant 32 : index
        %get3A_841 = tpu.vector_load %arg6[%get3A_838, %get3A_839, %get3A_840] {strides = array<i32>} : memref<2x1024x64xbf16, #tpu.memory_space<vmem>>, vector<1x1x32xbf16>,
        %get3A_842 = vector.shape_cast %get3A_841 : vector<1x1x32xbf16> to vector<32xbf16>
        %max3A = arith.maximumf %get3A_338, %get3A_354 : vector<32xbf16>
        %max3A_843 = arith.maximumf %get3A_346, %get3A_362 : vector<32xbf16>
        %max3A_844 = arith.maximumf %get3A_370, %get3A_386 : vector<32xbf16>
        %max3A_845 = arith.maximumf %get3A_378, %get3A_394 : vector<32xbf16>
        %max3A_846 = arith.maximumf %get3A_402, %get3A_418 : vector<32xbf16>
        %max3A_847 = arith.maximumf %get3A_410, %get3A_426 : vector<32xbf16>
        %max3A_848 = arith.maximumf %get3A_434, %get3A_450 : vector<32xbf16>
        %max3A_849 = arith.maximumf %get3A_442, %get3A_458 : vector<32xbf16>
        %max3A_850 = arith.maximumf %get3A_466, %get3A_482 : vector<32xbf16>
        %max3A_851 = arith.maximumf %get3A_474, %get3A_490 : vector<32xbf16>
        %max3A_852 = arith.maximumf %get3A_498, %get3A_514 : vector<32xbf16>
        %max3A_853 = arith.maximumf %get3A_506, %get3A_522 : vector<32xbf16>
        %max3A_854 = arith.maximumf %get3A_530, %get3A_546 : vector<32xbf16>
        %max3A_855 = arith.maximumf %get3A_538, %get3A_554 : vector<32xbf16>
        %max3A_856 = arith.maximumf %get3A_562, %get3A_578 : vector<32xbf16>
        %max3A_857 = arith.maximumf %get3A_570, %get3A_586 : vector<32xbf16>
        %max3A_858 = arith.maximumf %get3A_594, %get3A_610 : vector<32xbf16>
        %max3A_859 = arith.maximumf %get3A_602, %get3A_618 : vector<32xbf16>
        %max3A_860 = arith.maximumf %get3A_626, %get3A_642 : vector<32xbf16>
        %max3A_861 = arith.maximumf %get3A_634, %get3A_650 : vector<32xbf16>
        %max3A_862 = arith.maximumf %get3A_658, %get3A_674 : vector<32xbf16>
        %max3A_863 = arith.maximumf %get3A_666, %get3A_682 : vector<32xbf16>
        %max3A_864 = arith.maximumf %get3A_690, %get3A_706 : vector<32xbf16>
        %max3A_865 = arith.maximumf %get3A_698, %get3A_714 : vector<32xbf16>
        %max3A_866 = arith.maximumf %get3A_722, %get3A_738 : vector<32xbf16>
        %max3A_867 = arith.maximumf %get3A_730, %get3A_746 : vector<32xbf16>
        %max3A_868 = arith.maximumf %get3A_754, %get3A_770 : vector<32xbf16>
        %max3A_869 = arith.maximumf %get3A_762, %get3A_778 : vector<32xbf16>
        %max3A_870 = arith.maximumf %get3A_786, %get3A_802 : vector<32xbf16>
        %max3A_871 = arith.maximumf %get3A_794, %get3A_810 : vector<32xbf16>
        %max3A_872 = arith.maximumf %get3A_818, %get3A_834 : vector<32xbf16>
        %max3A_873 = arith.maximumf %get3A_826, %get3A_842 : vector<32xbf16>
        %max3A_874 = arith.maximumf %max3A, %max3A_844 : vector<32xbf16>
        %max3A_875 = arith.maximumf %max3A_843, %max3A_845 : vector<32xbf16>
        %max3A_876 = arith.maximumf %max3A_846, %max3A_848 : vector<32xbf16>
        %max3A_877 = arith.maximumf %max3A_847, %max3A_849 : vector<32xbf16>
        %max3A_878 = arith.maximumf %max3A_850, %max3A_852 : vector<32xbf16>
        %max3A_879 = arith.maximumf %max3A_851, %max3A_853 : vector<32xbf16>
        %max3A_880 = arith.maximumf %max3A_854, %max3A_856 : vector<32xbf16>
        %max3A_881 = arith.maximumf %max3A_855, %max3A_857 : vector<32xbf16>
        %max3A_882 = arith.maximumf %max3A_858, %max3A_860 : vector<32xbf16>
        %max3A_883 = arith.maximumf %max3A_859, %max3A_861 : vector<32xbf16>
        %max3A_884 = arith.maximumf %max3A_862, %max3A_864 : vector<32xbf16>
        %max3A_885 = arith.maximumf %max3A_863, %max3A_865 : vector<32xbf16>
        %max3A_886 = arith.maximumf %max3A_866, %max3A_868 : vector<32xbf16>
        %max3A_887 = arith.maximumf %max3A_867, %max3A_869 : vector<32xbf16>
        %max3A_888 = arith.maximumf %max3A_870, %max3A_872 : vector<32xbf16>
        %max3A_889 = arith.maximumf %max3A_871, %max3A_873 : vector<32xbf16>
        %max3A_890 = arith.maximumf %max3A_874, %max3A_876 : vector<32xbf16>
        %max3A_891 = arith.maximumf %max3A_875, %max3A_877 : vector<32xbf16>
        %max3A_892 = arith.maximumf %max3A_878, %max3A_880 : vector<32xbf16>
        %max3A_893 = arith.maximumf %max3A_879, %max3A_881 : vector<32xbf16>
        %max3A_894 = arith.maximumf %max3A_882, %max3A_884 : vector<32xbf16>
        %max3A_895 = arith.maximumf %max3A_883, %max3A_885 : vector<32xbf16>
        %max3A_896 = arith.maximumf %max3A_886, %max3A_888 : vector<32xbf16>
        %max3A_897 = arith.maximumf %max3A_887, %max3A_889 : vector<32xbf16>
        %max3A_898 = arith.maximumf %max3A_890, %max3A_892 : vector<32xbf16>
        %max3A_899 = arith.maximumf %max3A_891, %max3A_893 : vector<32xbf16>
        %max3A_900 = arith.maximumf %max3A_894, %max3A_896 : vector<32xbf16>
        %max3A_901 = arith.maximumf %max3A_895, %max3A_897 : vector<32xbf16>
        %max3A_902 = arith.maximumf %max3A_898, %max3A_900 : vector<32xbf16>
        %max3A_903 = arith.maximumf %max3A_899, %max3A_901 : vector<32xbf16>
        %mul3A_904 = arith.constant 32 : i32
        %mul3A_905 = arith.muli %add3A_322, %mul3A_904 : i32
        %add3A_906 = arith.addi %mul3A_905, %scan3A_329 : i32
        %swap3A = arith.index_cast %add3A_906 : i32 to index
        %swap3A_907 = arith.constant 0 : index
        %swap3A_908 = tpu.vector_load %arg7[%swap3A, %swap3A_907] {strides = array<i32>} : memref<320x64xbf16, #tpu.memory_space<vmem>>, vector<1x32xbf16>,
        %swap3A_909 = vector.shape_cast %swap3A_908 : vector<1x32xbf16> to vector<32xbf16>
        %swap3A_910 = vector.shape_cast %max3A_902 : vector<32xbf16> to vector<1x32xbf16>
        tpu.vector_store %arg7[%swap3A, %swap3A_907], %swap3A_910 {strides = array<i32>} : memref<320x64xbf16, #tpu.memory_space<vmem>>, vector<1x32xbf16>,
        %swap3A_911 = arith.index_cast %add3A_906 : i32 to index
        %swap3A_912 = arith.constant 32 : index
        %swap3A_913 = tpu.vector_load %arg7[%swap3A_911, %swap3A_912] {strides = array<i32>} : memref<320x64xbf16, #tpu.memory_space<vmem>>, vector<1x32xbf16>,
        %swap3A_914 = vector.shape_cast %swap3A_913 : vector<1x32xbf16> to vector<32xbf16>
        %swap3A_915 = vector.shape_cast %max3A_903 : vector<32xbf16> to vector<1x32xbf16>
        tpu.vector_store %arg7[%swap3A_911, %swap3A_912], %swap3A_915 {strides = array<i32>} : memref<320x64xbf16, #tpu.memory_space<vmem>>, vector<1x32xbf16>,
      }
      %scan3A_328 = arith.constant 32 : i32
    }
    %scan3A_128 = arith.constant 5 : i32
    %mul3A_129 = arith.constant 320 : i32
    %mul3A_130 = arith.muli %add3A, %mul3A_129 : i32
    "tpu.region"() ({
      %run_scoped3A = tpu.sem_alloc : memref<!tpu.dma_semaphore, #tpu.memory_space<semaphore_mem>>
      %dma_start3A_131 = arith.constant 0 : i32
      %dma_start3A_132 = tpu.memref_slice %arg4[%mul3A_130, %dma_start3A_131] : memref<10240x64xbf16, #tpu.memory_space<hbm>> -> memref<320x64xbf16, #tpu.memory_space<hbm>>
      %dma_start3A_133 = arith.constant 0 : i32
      %dma_start3A_134 = tpu.memref_slice %arg4[%mul3A_130, %dma_start3A_133] : memref<10240x64xbf16, #tpu.memory_space<hbm>> -> memref<320x64xbf16, #tpu.memory_space<hbm>>
      tpu.enqueue_dma source(%arg7 : memref<320x64xbf16, #tpu.memory_space<vmem>>) target(%dma_start3A_134 : memref<320x64xbf16, #tpu.memory_space<hbm>>) target_semaphore(%run_scoped3A : memref<!tpu.dma_semaphore, #tpu.memory_space<semaphore_mem>>)
      %dma_wait3A = arith.constant 0 : i32
      %dma_wait3A_135 = tpu.memref_slice %arg4[%mul3A_130, %dma_wait3A] : memref<10240x64xbf16, #tpu.memory_space<hbm>> -> memref<320x64xbf16, #tpu.memory_space<hbm>>
      %dma_wait3A_136 = arith.constant 0 : i32
      %dma_wait3A_137 = tpu.memref_slice %arg4[%mul3A_130, %dma_wait3A_136] : memref<10240x64xbf16, #tpu.memory_space<hbm>> -> memref<320x64xbf16, #tpu.memory_space<hbm>>
      tpu.wait_dma2 semaphore(%run_scoped3A : memref<!tpu.dma_semaphore, #tpu.memory_space<semaphore_mem>>) src(%arg7 : memref<320x64xbf16, #tpu.memory_space<vmem>>) dst(%dma_wait3A_137 : memref<320x64xbf16, #tpu.memory_space<hbm>>)
      tpu.yield
    }) : () -> ()
    return
  }
}

module attributes {stable_mosaic.version = 14 : i64} {
  func.func @_mlp_body(%arg0: i32, %arg1: memref<2048x128xf32, #tpu.memory_space<vmem>>, %arg2: memref<2048x64xbf16, #tpu.memory_space<vmem>>, %arg3: memref<64x64xf32, #tpu.memory_space<vmem>>, %arg4: memref<1x64xf32, #tpu.memory_space<vmem>>, %arg5: memref<64x64xf32, #tpu.memory_space<vmem>>, %arg6: memref<1x64xf32, #tpu.memory_space<vmem>>, %arg7: memref<1x128x2048xf32, #tpu.memory_space<vmem>>) attributes {dimension_semantics = [#tpu.dimension_semantics<arbitrary>], iteration_bounds = array<i64: 5>, scalar_prefetch = 0 : i64, scratch_operands = 0 : i64, tpu.core_type = #tpu.core_type<tc>, window_params = [{transform_indices = @transform_0, window_bounds = array<i64: 2048, 128>}, {transform_indices = @transform_1, window_bounds = array<i64: 2048, 64>}, {pipeline_mode = #tpu.pipeline_mode<synchronous>, transform_indices = @transform_2, window_bounds = array<i64: 64, 64>}, {pipeline_mode = #tpu.pipeline_mode<synchronous>, transform_indices = @transform_3, window_bounds = array<i64: 1, 64>}, {pipeline_mode = #tpu.pipeline_mode<synchronous>, transform_indices = @transform_4, window_bounds = array<i64: 64, 64>}, {pipeline_mode = #tpu.pipeline_mode<synchronous>, transform_indices = @transform_5, window_bounds = array<i64: 1, 64>}, {transform_indices = @transform_6, window_bounds = array<i64: 1, 128, 2048>}]} {
    %get3A = arith.constant 0 : index
    %get3A_0 = arith.constant 0 : index
    %get3A_1 = vector.load %arg2[%get3A, %get3A_0] : memref<2048x64xbf16, #tpu.memory_space<vmem>>, vector<2048x64xbf16>
    %convert_element_type3A = arith.extf %get3A_1 : vector<2048x64xbf16> to vector<2048x64xf32>
    %get3A_2 = arith.constant 0 : index
    %get3A_3 = arith.constant 0 : index
    %get3A_4 = vector.load %arg3[%get3A_2, %get3A_3] : memref<64x64xf32, #tpu.memory_space<vmem>>, vector<64x64xf32>
    %dot_general3A = arith.constant dense<0.000000e+00> : vector<2048x64xf32>
    %dot_general3A_5 = tpu.matmul %convert_element_type3A, %get3A_4, %dot_general3A {dimension_numbers = #tpu.dot_dimension_numbers<[1], [0], [0], [1], [0, 0, 1, 1], [], []>, transpose_lhs_hint = false} : vector<2048x64xf32>, vector<64x64xf32>, vector<2048x64xf32> -> vector<2048x64xf32>
    %get3A_6 = arith.constant 0 : index
    %get3A_7 = arith.constant 0 : index
    %get3A_8 = vector.load %arg4[%get3A_6, %get3A_7] : memref<1x64xf32, #tpu.memory_space<vmem>>, vector<1x64xf32>
    %add3A = vector.broadcast %get3A_8 : vector<1x64xf32> to vector<2048x64xf32>
    %add3A_9 = arith.addf %dot_general3A_5, %add3A : vector<2048x64xf32>
    %max3A = arith.constant 0.000000e+00 : f32
    %max3A_10 = vector.broadcast %max3A : f32 to vector<2048x64xf32>
    %max3A_11 = arith.maximumf %add3A_9, %max3A_10 : vector<2048x64xf32>
    %get3A_12 = arith.constant 0 : index
    %get3A_13 = arith.constant 0 : index
    %get3A_14 = vector.load %arg5[%get3A_12, %get3A_13] : memref<64x64xf32, #tpu.memory_space<vmem>>, vector<64x64xf32>
    %dot_general3A_15 = arith.constant dense<0.000000e+00> : vector<2048x64xf32>
    %dot_general3A_16 = tpu.matmul %max3A_11, %get3A_14, %dot_general3A_15 {dimension_numbers = #tpu.dot_dimension_numbers<[1], [0], [0], [1], [0, 0, 1, 1], [], []>, transpose_lhs_hint = false} : vector<2048x64xf32>, vector<64x64xf32>, vector<2048x64xf32> -> vector<2048x64xf32>
    %get3A_17 = arith.constant 0 : index
    %get3A_18 = arith.constant 0 : index
    %get3A_19 = vector.load %arg6[%get3A_17, %get3A_18] : memref<1x64xf32, #tpu.memory_space<vmem>>, vector<1x64xf32>
    %add3A_20 = vector.broadcast %get3A_19 : vector<1x64xf32> to vector<2048x64xf32>
    %add3A_21 = arith.addf %dot_general3A_16, %add3A_20 : vector<2048x64xf32>
    %get3A_22 = arith.constant 0 : index
    %get3A_23 = arith.constant 0 : index
    %get3A_24 = vector.load %arg1[%get3A_22, %get3A_23] : memref<2048x128xf32, #tpu.memory_space<vmem>>, vector<2048x128xf32>
    %slice3A = vector.extract_strided_slice %get3A_24 {offsets = [0, 64], sizes = [2048, 64], strides = [1, 1]} : vector<2048x128xf32> to vector<2048x64xf32>
    %slice3A_25 = vector.extract_strided_slice %get3A_24 {offsets = [0, 0], sizes = [2048, 64], strides = [1, 1]} : vector<2048x128xf32> to vector<2048x64xf32>
    %add3A_26 = arith.addf %slice3A_25, %add3A_21 : vector<2048x64xf32>
    %concatenate3A = tpu.concatenate %slice3A, %add3A_26 in 1 : vector<2048x64xf32>, vector<2048x64xf32> -> vector<2048x128xf32>
    %transpose3A = tpu.transpose %concatenate3A, [1, 0] : vector<2048x128xf32> -> vector<128x2048xf32>
    %broadcast_in_dim3A = vector.shape_cast %transpose3A : vector<128x2048xf32> to vector<1x128x2048xf32>
    %swap3A = arith.constant 0 : index
    %swap3A_27 = arith.constant 0 : index
    %swap3A_28 = arith.constant 0 : index
    %swap3A_29 = vector.load %arg7[%swap3A, %swap3A_27, %swap3A_28] : memref<1x128x2048xf32, #tpu.memory_space<vmem>>, vector<1x128x2048xf32>
    tpu.vector_store %arg7[%swap3A, %swap3A_27, %swap3A_28], %broadcast_in_dim3A {strides = array<i32>} : memref<1x128x2048xf32, #tpu.memory_space<vmem>>, vector<1x128x2048xf32>,
    return
  }
  func.func @transform_0(%arg0: i32) -> (i32, i32) {
    %c0_i32 = arith.constant 0 : i32
    %c0_i32_0 = arith.constant 0 : i32
    return %arg0, %c0_i32 : i32, i32
  }
  func.func @transform_1(%arg0: i32) -> (i32, i32) {
    %c0_i32 = arith.constant 0 : i32
    %c0_i32_0 = arith.constant 0 : i32
    return %arg0, %c0_i32 : i32, i32
  }
  func.func @transform_2(%arg0: i32) -> (i32, i32) {
    %c0_i32 = arith.constant 0 : i32
    %c0_i32_0 = arith.constant 0 : i32
    %c0_i32_1 = arith.constant 0 : i32
    return %c0_i32, %c0_i32_0 : i32, i32
  }
  func.func @transform_3(%arg0: i32) -> (i32, i32) {
    %c0_i32 = arith.constant 0 : i32
    %c0_i32_0 = arith.constant 0 : i32
    %c0_i32_1 = arith.constant 0 : i32
    return %c0_i32, %c0_i32_0 : i32, i32
  }
  func.func @transform_4(%arg0: i32) -> (i32, i32) {
    %c0_i32 = arith.constant 0 : i32
    %c0_i32_0 = arith.constant 0 : i32
    %c0_i32_1 = arith.constant 0 : i32
    return %c0_i32, %c0_i32_0 : i32, i32
  }
  func.func @transform_5(%arg0: i32) -> (i32, i32) {
    %c0_i32 = arith.constant 0 : i32
    %c0_i32_0 = arith.constant 0 : i32
    %c0_i32_1 = arith.constant 0 : i32
    return %c0_i32, %c0_i32_0 : i32, i32
  }
  func.func @transform_6(%arg0: i32) -> (i32, i32, i32) {
    %c0_i32 = arith.constant 0 : i32
    %c0_i32_0 = arith.constant 0 : i32
    %c0_i32_1 = arith.constant 0 : i32
    return %c0_i32, %c0_i32_0, %arg0 : i32, i32, i32
  }
}

</mosaic_0001>

<sc_bundles>
// kernel: kernel.4.cloned.1.call-start
scs
__scs_entry_jumppad:
0x0: {  	(pc) =	sbr.rel $0x88, $3  }
0x1: {  	(tag) =	ssettag $0x0;
	lr =	simm.s32 $0x1  }
0x2: {  	[smem:$0x3F9B] =	sst lr;
	_ =	strace $0xD0000000  }
0x3: {  	_ = 	snop  }
0x4: {  	_ = 	snop  }
0x5: {  	_ = 	snop  }
0x6: {  	_ = 	snop  }
0x7: {  	_ = 	snop  }
__scs_overlays_trampoline_lowered:
0x8: {  	[smem:$0x3FAA] =	sst s0  }
0x9: {  	[smem:$0x3FAB] =	sst s1  }
0xa: {  	[smem:$0x3FAC] =	sst s2  }
0xb: {  	[smem:$0x3FAD] =	sst s3  }
0xc: {  	[smem:$0x3FAE] =	sst s4  }
0xd: {  	[smem:$0x3FAF] =	sst s5  }
0xe: {  	[smem:$0x3FB0] =	sst s6  }
0xf: {  	[smem:$0x3FB1] =	sst s7  }
0x10: {  	[smem:$0x3FB2] =	sst s8  }
0x11: {  	[smem:$0x3FB3] =	sst s9;
	s0 =	simm.s32 @!p0 $0x0  }
0x12: {  	s1 =	sld [smem:$0x3F99];
	s0 =	simm.s32 @p0 $0x1  }
0x13: {  	[smem:$0x3FB4] =	sst s0;
	s0 =	simm.s32 @!p1 $0x0  }
0x14: {  	s2 =	sld [smem:$0x3F98];
	s0 =	simm.s32 @p1 $0x1  }
0x15: {  	[smem:$0x3FB5] =	sst s0;
	s0 =	simm.s32 @!p2 $0x0  }
0x16: {  	s3 =	sld [smem:$0x3FDB];
	s0 =	simm.s32 @p2 $0x1  }
0x17: {  	s4 =	simm.s32 $0x1BF5;
	[smem:$0x3FB7] =	sst s0  }
0x18: {  	s0 =	sld [smem:$0x3F9A];
	_ =	swait.ge [sflag:s4], $0x0  }
0x19: {  	s7 =	sld [smem:$0x3F9B]  }
0x1a: {  	s8 =	sadd.s32 $0xFFFFE003, lr  }
0x1b: {  	s9 =	sadd.s32 $0xFFFFFEF7, lr;
	s5 =	simm.s32 $0xFFFFFFFF;
	p2 =	slt.u32 s8, $0xFFFFF086  }
0x1c: {  	p1 =	slt.u32 s9, $0xF7A;
	s5 =	simm.s32 @!p2 $0x0  }
0x1d: {  	s5 =	simm.s32 @p1 $0x1;
	p0 =	seq.s32 s7, s2  }
0x1e: {  	s7 =	smul.u32 @!p0 $0xF7A, s2;
	p2 =	seq.s32 @!p0 s5, $0x0  }
0x1f: {  	s9 =	smul.u32 $0xF7A, s1;
	s8 =	simm.s32 @!p0 $0x1BF5;
	p2 =	por !p2, p0  }
0x20: {  	[sflag:s8] =	ssyncset.s32 @!p0 $0xFFFFF086;
	s6 =	sadd.s32 @!p0 s3, s7;
	s7 =	simm.s32 @!p0 $0x108  }
0x21: {  	s3 =	sadd.s32 s3, s9;
	s6 =	sadd.s32 @!p0 $0x88, s6;
	s7 =	simm.s32 @p2 $0x1082  }
0x22: {  	[simem:s7], [sflag:s8] =	dma.local @!p0 [hbm:s6], $0xF7A  }
0x23: {  	s9 =	sor.u32 $0xD0000000, s2;
	s6 =	simm.s32 $0x108;
	_ =	swait.ge @!p0 [sflag:s8], $0x0  }
0x24: {  	s3 =	sadd.s32 $0x88, s3;
	s6 =	simm.s32 @!p1 $0x1082;
	[sflag:s4] =	ssyncset.s32 $0xFFFFF086  }
0x25: {  	[simem:s6], [sflag:s4] =	dma.local [hbm:s3], $0xF7A  }
0x26: {  	[smem:$0x3F9B] =	sst s1;
	(tag) =	ssettag s2;
	_ =	strace s9  }
0x27: {  	s1 =	sld [smem:$0x3FAB]  }
0x28: {  	s2 =	sld [smem:$0x3FAC]  }
0x29: {  	s4 =	sld [smem:$0x3FAE]  }
0x2a: {  	p0 =	seq.s32 s5, $0x0;
	s5 =	sld [smem:$0x3FAF]  }
0x2b: {  	s6 =	sld [smem:$0x3FB0]  }
0x2c: {  	s7 =	sld [smem:$0x3FB1]  }
0x2d: {  	s3 =	simm.s32 $0x108;
	s8 =	sld [smem:$0x3FB2]  }
0x2e: {  	s3 =	simm.s32 @!p0 $0x1082;
	s9 =	sld [smem:$0x3FB3]  }
0x2f: {  	lr =	sadd.s32 s0, s3;
	s0 =	sld [smem:$0x3FAA]  }
0x30: {  	s3 =	sld [smem:$0x3FAD]  }
0x31: {  	[smem:$0x3FB6] =	sst s10  }
0x32: {  	s10 =	sld [smem:$0x3FB4];
	_ =	sdelay $0x3  }
0x33: {  	p0 =	seq.s32 s10, $0x1;
	s10 =	sld [smem:$0x3FB6];
	_ =	sdelay $0x3  }
0x34: {  	[smem:$0x3FB6] =	sst s10  }
0x35: {  	s10 =	sld [smem:$0x3FB5];
	_ =	sdelay $0x3  }
0x36: {  	p1 =	seq.s32 s10, $0x1;
	s10 =	sld [smem:$0x3FB6];
	_ =	sdelay $0x3  }
0x37: {  	[smem:$0x3FB6] =	sst s10  }
0x38: {  	s10 =	sld [smem:$0x3FB7]  }
0x39: {  	_ = 	snop;
	(pc) =	sbr.ind lr, $3  }
0x3a: {  	_ = 	snop  }
0x3b: {  	_ = 	snop  }
0x3c: {  	p2 =	seq.s32 s10, $0x1;
	s10 =	sld [smem:$0x3FB6]  }
0x3d: {  	_ =	shalt  }
0x3e: {  	_ =	shalt  }
0x3f: {  	_ =	shalt  }
0x40: {  	_ =	shalt  }
0x41: {  	_ =	shalt  }
0x42: {  	_ =	shalt  }
0x43: {  	_ =	shalt  }
0x44: {  	_ =	shalt  }
0x45: {  	_ =	shalt  }
0x46: {  	_ =	shalt  }
0x47: {  	_ =	shalt  }
0x48: {  	_ =	shalt  }
0x49: {  	_ =	shalt  }
0x4a: {  	_ =	shalt  }
0x4b: {  	_ =	shalt  }
0x4c: {  	_ =	shalt  }
0x4d: {  	_ =	shalt  }
0x4e: {  	_ =	shalt  }
0x4f: {  	_ =	shalt  }
0x50: {  	_ =	shalt  }
0x51: {  	_ =	shalt  }
0x52: {  	_ =	shalt  }
0x53: {  	_ =	shalt  }
0x54: {  	_ =	shalt  }
0x55: {  	_ =	shalt  }
0x56: {  	_ =	shalt  }
0x57: {  	_ =	shalt  }
0x58: {  	_ =	shalt  }
0x59: {  	_ =	shalt  }
0x5a: {  	_ =	shalt  }
0x5b: {  	_ =	shalt  }
0x5c: {  	_ =	shalt  }
0x5d: {  	_ =	shalt  }
0x5e: {  	_ =	shalt  }
0x5f: {  	_ =	shalt  }
0x60: {  	_ =	shalt  }
0x61: {  	_ =	shalt  }
0x62: {  	_ =	shalt  }
0x63: {  	_ =	shalt  }
0x64: {  	_ =	shalt  }
0x65: {  	_ =	shalt  }
0x66: {  	_ =	shalt  }
0x67: {  	_ =	shalt  }
0x68: {  	_ =	shalt  }
0x69: {  	_ =	shalt  }
0x6a: {  	_ =	shalt  }
0x6b: {  	_ =	shalt  }
0x6c: {  	_ =	shalt  }
0x6d: {  	_ =	shalt  }
0x6e: {  	_ =	shalt  }
0x6f: {  	_ =	shalt  }
0x70: {  	_ =	shalt  }
0x71: {  	_ =	shalt  }
0x72: {  	_ =	shalt  }
0x73: {  	_ =	shalt  }
0x74: {  	_ =	shalt  }
0x75: {  	_ =	shalt  }
0x76: {  	_ =	shalt  }
0x77: {  	_ =	shalt  }
0x78: {  	_ =	shalt  }
0x79: {  	_ =	shalt  }
0x7a: {  	_ =	shalt  }
0x7b: {  	_ =	shalt  }
0x7c: {  	_ =	shalt  }
0x7d: {  	_ =	shalt  }
0x7e: {  	_ =	shalt  }
0x7f: {  	_ =	shalt  }
0x80: {  	_ =	shalt  }
0x81: {  	_ =	shalt  }
0x82: {  	_ =	shalt  }
0x83: {  	_ =	shalt  }
0x84: {  	_ =	shalt  }
0x85: {  	_ =	shalt  }
0x86: {  	_ =	shalt  }
0x87: {  	_ =	shalt  }
.Lfunc_end0:
.L_simem_size_0:
called_computation_lowered:
.L_overlay_start_0:
0x88: {  	s2 =	sld [smem:$0x3FD9]  }
0x89: {  	s3 =	sld [smem:$0x3FFE];
	_ =	sdelay $0x1  }
0x8a: {  	s1 =	srdreg.scid  }
0x8b: {  	s0 =	sand.u32 $0x1, s1  }
0x8c: {  	s17 =	sshll.u32 s0, $0xA;
	s2 =	sadd.s32 s3, s2  }
0x8d: {  	s2 =	sadd.s32 s2, s17  }
0x8e: {  	[smem:$0x3FC2] =	sst s2  }
0x8f: {  	_ = 	snop  }
0x90: {  	s2 =	sld [smem:$0x3FD0];
	(tm) =	ssettm $0x1  }
0x91: {  	s18 =	sld [smem:$0x3FFB];
	_ =	sdelay $0x3  }
0x92: {  	_ =	strace s18  }
0x93: {  	s3 =	sld [smem:$0x3FFC];
	_ =	sdelay $0x3  }
0x94: {  	_ =	strace s3  }
0x95: {  	s3 =	sld [smem:$0x3FFD];
	_ =	sdelay $0x3  }
0x96: {  	_ =	strace s3  }
0x97: {  	_ =	strace $0x8FFFFFFF  }
0x98: {  	s19 =	sld [smem:$0x3FDB];
	_ =	sdelay $0x1  }
0x99: {  	s4 =	simm.s32 $_scs_section_size  }
0x9a: {  	s5 =	simm.s32 $_size__tile_overlayer_lowered;
	s6 =	simm.s32 $_tile_overlayer_lowered  }
0x9b: {  	s22 =	simm.s32 $0x1BFF;
	s21 =	sshll.u32 s6, $0x1;
	s3 =	sadd.s32 s4, s19  }
0x9c: {  	s7 =	simm.s32 $0x0;
	s20 =	sshll.u32 s5, $0x1;
	s5 =	sadd.s32 s21, s3  }
0x9d: {  	[timem:s7], [sflag:s22] =	dma.local [hbm:s5], s20  }
0x9e: {  	_ =	swait.ge [sflag:s22], s20  }
0x9f: {  	s4 =	ssub.s32 $0x0, s20;
	[sflag:s22] =	ssyncset.done $0x0  }
0xa0: {  	[sflag:s22] =	ssyncadd.s32 s4;
	_ =	sdelay $0x1  }
0xa1: {  	s23 =	simm.s32 $0x1B8B  }
0xa2: {  	_ =	swait.ge [sflag:s23], $0x1  }
0xa3: {  	[sflag:s23] =	ssyncset.done $0x0  }
0xa4: {  	s25 =	simm.s32 $0x1B8E;
	s24 =	sld [smem:$0x3FFE];
	[sflag:s23] =	ssyncadd.s32 $0xFFFFFFFF  }
0xa5: {  	s26 =	simm.s32 $execute0_lowered;
	[smem:$0x3FD2] =	sst s25  }
0xa6: {  	s5 =	sshll.u32 s26, $0x1;
	_ =	strace $0x80000046;
	[dreg:$0x1] =	wrdreg $0xFFFFFFFF  }
0xa7: {  	s28 =	simm.s32 $_size_execute0_lowered;
	s3 =	sadd.s32 s3, s5;
	[dreg:$0x0] =	wrdreg $0x0  }
0xa8: {  	s5 =	sshll.u32 s28, $0x1;
	[dreg:$0x2] =	wrdreg s3  }
0xa9: {  	[dreg:$0x3] =	wrdreg s5  }
0xaa: {  	[dreg:$0x4] =	wrdreg $0xC0  }
0xab: {  	_ =	task [dreg:s7], $0x5FFFF  }
0xac: {  	[dreg:$0x1] =	wrdreg $0xFFFFFFFF  }
0xad: {  	[dreg:$0x0] =	wrdreg $0x60  }
0xae: {  	[dreg:$0x2] =	wrdreg s24  }
0xaf: {  	[dreg:$0x3] =	wrdreg s2  }
0xb0: {  	[dreg:$0x4] =	wrdreg $0x150000  }
0xb1: {  	[dreg:$0x5] =	wrdreg $0x9  }
0xb2: {  	_ =	task.clear_ibuf [dreg:s7], $0x6FFFF;
	_ =	strace $0x90000046  }
0xb3: {  	s29 =	simm.s32 $0x9;
	_ =	strace $0x80000048  }
0xb4: {  	_ =	swait.ge [sflag:s29], $0x1  }
0xb5: {  	[sflag:s29] =	ssyncadd.s32 $0xFFFFFFFF  }
0xb6: {  	_ =	strace $0x90000048  }
0xb7: {  	_ =	sfence  }
0xb8: {  	s30 =	sld [smem:$0x0];
	_ =	sdelay $0x2  }
0xb9: {  	s31 =	sshll.u32 s1, $0xD;
	s1 =	sshrl.u32 s1, $0x2  }
0xba: {  	s3 =	sand.u32 $0x4000, s31;
	s1 =	sadd.s32 s1, s30  }
0xbb: {  	s0 =	sor.u32 s3, s0;
	s1 =	sshll.u32 s1, $0x11  }
0xbc: {  	s0 =	sor.u32 s1, s0  }
0xbd: {  	s0 =	sadd.s32 $0x8F2B, s0  }
0xbe: {  	[sflag:s0] =	ssyncadd.remote.s32 $0x1  }
0xbf: {  	_ =	sfence.sel $0xFFFF  }
0xc0: {  	[dreg:$0x0] =	wrdreg $0xFFFFFFFF;
	(pc) =	sbr.abs _section_cstart, $3  }
0xc1: {  	[dreg:$0x1] =	wrdreg $0xFFFFFFFF  }
0xc2: {  	_ =	task.clear_ibuf [dreg:s7], $0x2FFFF;
	_ =	strace $0x9FFFFFFF  }
0xc3: {  	(tm) =	ssettm $0x7FFFFFFF  }
tec
execute0_lowered:
.L_overlay_start_1:
0x0: {  	(tag) =	ssettag $0x1  }
0x1: {  	s0 =	rddreg [dreg:$0x0]  }
0x2: {  	s4 =	rddreg [dreg:$0x1];
	s2 =	srdreg.scid  }
0x3: {  	s6 =	stileid.u32;
	s1 =	rddreg [dreg:$0x2];
	s9 =	simm.s32 $0x80  }
0x4: {  	s21 =	simm.s32 $0x8800;
	s22 =	simm.s32 $0x380;
	s23 =	simm.s32 $0x9800  }
0x5: {  	s24 =	simm.s32 $0xA800;
	s25 =	simm.s32 $0xB800;
	s26 =	simm.s32 $0xC800  }
0x6: {  	s28 =	simm.s32 $0xD800;
	s29 =	simm.s32 $0xE800;
	s30 =	simm.s32 $0xF800  }
0x7: {  	s31 =	simm.s32 $0x10800;
	s10 =	simm.s32 $0x1;
	s11 =	simm.s32 $0x2  }
0x8: {  	s12 =	simm.s32 $0x12800;
	s13 =	simm.s32 $0x0;
	s3 =	sand.u32 $0x1, s2  }
0x9: {  	s5 =	sshll.u32 s6, $0x1;
	s2 =	simm.s32 $0x0;
	p0 =	sne.s32 s6, $0x0  }
0xa: {  	s5 =	sor.u32 s3, s5;
	[smem:$0x7FF] =	sst s2;
	s7 =	ssub.s32 $0x2, s3  }
0xb: {  	s3 =	sadd.s32 $0x1600, s0;
	s5 =	smul.u32 $0x500, s5;
	s8 =	sshrl.u32 s7, $0x1  }
0xc: {  	_ =	strace $0x80000047;
	s7 =	ssub.s32 s7, s8;
	s8 =	simm.s32 $0x3  }
0xd: {  	s0 =	sadd.s32 s5, s0;
	s4 =	sadd.s32 s4, s5;
	s6 =	smax.u32 s7, $0x1  }
0xe: {  	s7 =	sshrl.u32 @!p0 s1, $0x3;
	s5 =	sadd.s32 $0xB400, s0;
	s0 =	simm.s32 $0x11800  }
.LBB2_1:
0xf: {  	s14 =	simm.s32 @!p0 $0x1C03  }
0x10: {  	[spmem:s7], [sflag:s14] =	dma.local @!p0 [hbm:s3], $0x9C40  }
0x11: {  	s14 =	simm.s32 @!p0 $0x3  }
0x12: {  	_ =	swait.ge @!p0 [sflag:s14], $0x9C40  }
0x13: {  	[sflag:s14] =	ssyncset.done @!p0 $0x0  }
0x14: {  	[sflag:s14] =	ssyncadd.s32 @!p0 $0xFFFF63C0  }
0x15: {  	[tilespmem:s2], [sflag:$0x3] =	stream.linear.gather [hbm4b:s4+s2], $0x2800, $0x38;
	[tilespmem:$0x19E20] =	vst v63  }
0x16: {  	_ =	swait.ge [sflag:s8], $0x2800  }
0x17: {  	[sflag:s8] =	ssyncset.done $0x0  }
0x18: {  	[sflag:s8] =	ssyncadd.s32 $0xFFFFD800  }
0x19: {  	s16 =	simm.s32 $0x2800;
	[bflag:$0x0] =	sbarrier.arrive $0xFFFF  }
0x1a: {  	[tilespmem:s16], [sflag:$0x1] =	stream.indirect.gather [spmem:s1], $0x20, s2, s9, $0xb8;
	[tilespmem:$0x19E20] =	vst v63  }
0x1b: {  	s17 =	simm.s32 $0x3800  }
0x1c: {  	[tilespmem:s17], [sflag:$0x1] =	stream.indirect.gather [spmem:s1], $0x20, s9, s9, $0xb8;
	[tilespmem:$0x19E20] =	vst v63  }
0x1d: {  	s18 =	simm.s32 $0x100;
	s15 =	simm.s32 $0x4800  }
0x1e: {  	[tilespmem:s15], [sflag:$0x1] =	stream.indirect.gather [spmem:s1], $0x20, s18, s9, $0xb8;
	[tilespmem:$0x19E20] =	vst v63  }
0x1f: {  	s19 =	simm.s32 $0x180;
	s20 =	simm.s32 $0x5800  }
0x20: {  	[tilespmem:s20], [sflag:$0x1] =	stream.indirect.gather [spmem:s1], $0x20, s19, s9, $0xb8;
	[tilespmem:$0x19E20] =	vst v63  }
0x21: {  	s16 =	simm.s32 $0x200;
	s17 =	simm.s32 $0x6800  }
0x22: {  	[tilespmem:s17], [sflag:$0x1] =	stream.indirect.gather [spmem:s1], $0x20, s16, s9, $0xb8;
	[tilespmem:$0x19E20] =	vst v63  }
0x23: {  	s18 =	simm.s32 $0x280;
	s19 =	simm.s32 $0x7800  }
0x24: {  	[tilespmem:s19], [sflag:$0x1] =	stream.indirect.gather [spmem:s1], $0x20, s18, s9, $0xb8;
	[tilespmem:$0x19E20] =	vst v63  }
0x25: {  	s20 =	simm.s32 $0x300  }
0x26: {  	[tilespmem:s21], [sflag:$0x1] =	stream.indirect.gather [spmem:s1], $0x20, s20, s9, $0xb8;
	[tilespmem:$0x19E20] =	vst v63  }
0x27: {  	s14 =	simm.s32 $0x12810;
	s15 =	simm.s32 $0x12C10;
	s16 =	simm.s32 $0x0  }
0x28: {  	[tilespmem:s23], [sflag:$0x1] =	stream.indirect.gather [spmem:s1], $0x20, s22, s9, $0xb8;
	[tilespmem:$0x19E20] =	vst v63  }
.LBB2_2:
0x29: {  	s17 =	sshll.u32 s16, $0xD  }
0x2a: {  	s18 =	sshra.s32 s17, $0x2  }
0x2b: {  	s19 =	sor.u32 $0x400, s18  }
0x2c: {  	[tilespmem:s24], [sflag:$0x2] =	stream.indirect.gather [spmem:s1], $0x20, s19, s9, $0xb8;
	[tilespmem:$0x19E20] =	vst v63  }
0x2d: {  	s20 =	sor.u32 $0x480, s18  }
0x2e: {  	[tilespmem:s25], [sflag:$0x2] =	stream.indirect.gather [spmem:s1], $0x20, s20, s9, $0xb8;
	[tilespmem:$0x19E20] =	vst v63  }
0x2f: {  	s20 =	sor.u32 $0x500, s18  }
0x30: {  	[tilespmem:s26], [sflag:$0x2] =	stream.indirect.gather [spmem:s1], $0x20, s20, s9, $0xb8;
	[tilespmem:$0x19E20] =	vst v63  }
0x31: {  	s20 =	sor.u32 $0x580, s18  }
0x32: {  	[tilespmem:s28], [sflag:$0x2] =	stream.indirect.gather [spmem:s1], $0x20, s20, s9, $0xb8;
	[tilespmem:$0x19E20] =	vst v63  }
0x33: {  	s20 =	sor.u32 $0x600, s18  }
0x34: {  	[tilespmem:s29], [sflag:$0x2] =	stream.indirect.gather [spmem:s1], $0x20, s20, s9, $0xb8;
	[tilespmem:$0x19E20] =	vst v63  }
0x35: {  	s20 =	sor.u32 $0x680, s18  }
0x36: {  	[tilespmem:s30], [sflag:$0x2] =	stream.indirect.gather [spmem:s1], $0x20, s20, s9, $0xb8;
	[tilespmem:$0x19E20] =	vst v63  }
0x37: {  	s20 =	sor.u32 $0x700, s18  }
0x38: {  	[tilespmem:s31], [sflag:$0x2] =	stream.indirect.gather [spmem:s1], $0x20, s20, s9, $0xb8;
	[tilespmem:$0x19E20] =	vst v63  }
0x39: {  	s18 =	sor.u32 $0x780, s18  }
0x3a: {  	[tilespmem:s0], [sflag:$0x2] =	stream.indirect.gather [spmem:s1], $0x20, s18, s9, $0xb8;
	[tilespmem:$0x19E20] =	vst v63  }
0x3b: {  	_ =	swait.ge [sflag:s10], $0x8000  }
0x3c: {  	[sflag:s10] =	ssyncset.done $0x0  }
0x3d: {  	s18 =	simm.s32 $0x2A00;
	[sflag:s10] =	ssyncadd.s32 $0xFFFF8000  }
0x3e: {  	v0 =	vld [tilespmem:s18+$0xFFFFFE40]  }
0x3f: {  	v1 =	vld [tilespmem:s18+$0xFFFFFE60]  }
0x40: {  	v2 =	vld [tilespmem:s18+$0xFFFFFE80]  }
0x41: {  	v3 =	vld [tilespmem:s18+$0xFFFFFEA0]  }
0x42: {  	v4 =	vld [tilespmem:s18+$0xFFFFFEC0]  }
0x43: {  	v5 =	vld [tilespmem:s18+$0xFFFFFEE0]  }
0x44: {  	v6 =	vld [tilespmem:s18+$0xFFFFFF00]  }
0x45: {  	v7 =	vld [tilespmem:s18+$0xFFFFFF20]  }
0x46: {  	v8 =	vld [tilespmem:s18+$0xFFFFFF40]  }
0x47: {  	v9 =	vld [tilespmem:s18+$0xFFFFFF60]  }
0x48: {  	v10 =	vld [tilespmem:s18+$0xFFFFFF80]  }
0x49: {  	v11 =	vld [tilespmem:s18+$0xFFFFFFA0]  }
0x4a: {  	v12 =	vld [tilespmem:s18+$0xFFFFFFC0]  }
0x4b: {  	v13 =	vld [tilespmem:s18+$0xFFFFFFE0]  }
0x4c: {  	v14 =	vld [tilespmem:s18+$0x0]  }
0x4d: {  	v15 =	vld [tilespmem:s18+$0x1F0]  }
0x4e: {  	v16 =	vld [tilespmem:s18+$0x1D0]  }
0x4f: {  	v17 =	vld [tilespmem:s18+$0x1B0]  }
0x50: {  	v18 =	vld [tilespmem:s18+$0x190]  }
0x51: {  	v19 =	vld [tilespmem:s18+$0x170]  }
0x52: {  	v20 =	vld [tilespmem:s18+$0x150]  }
0x53: {  	v21 =	vld [tilespmem:s18+$0x130]  }
0x54: {  	v22 =	vld [tilespmem:s18+$0x110]  }
0x55: {  	v23 =	vld [tilespmem:s18+$0xF0]  }
0x56: {  	v24 =	vld [tilespmem:s18+$0xD0]  }
0x57: {  	v25 =	vld [tilespmem:s18+$0xB0]  }
0x58: {  	v26 =	vld [tilespmem:s18+$0x90]  }
0x59: {  	v27 =	vld [tilespmem:s18+$0x70]  }
0x5a: {  	v28 =	vld [tilespmem:s18+$0x50]  }
0x5b: {  	v29 =	vld [tilespmem:s18+$0x30]  }
0x5c: {  	v30 =	vld [tilespmem:s18+$0x10]  }
0x5d: {  	v31 =	vld [tilespmem:s18+$0xFFFFFFF0]  }
0x5e: {  	v32 =	vld [tilespmem:s18+$0xFFFFFFD0]  }
0x5f: {  	v33 =	vld [tilespmem:s18+$0xFFFFFFB0]  }
0x60: {  	v34 =	vld [tilespmem:s18+$0xFFFFFF90]  }
0x61: {  	v35 =	vld [tilespmem:s18+$0xFFFFFF70]  }
0x62: {  	v36 =	vld [tilespmem:s18+$0xFFFFFF50]  }
0x63: {  	v37 =	vld [tilespmem:s18+$0xFFFFFF30]  }
0x64: {  	v38 =	vld [tilespmem:s18+$0xFFFFFF10]  }
0x65: {  	v39 =	vld [tilespmem:s18+$0xFFFFFEF0]  }
0x66: {  	v40 =	vld [tilespmem:s18+$0xFFFFFED0]  }
0x67: {  	v41 =	vld [tilespmem:s18+$0xFFFFFEB0]  }
0x68: {  	v42 =	vld [tilespmem:s18+$0xFFFFFE90]  }
0x69: {  	v43 =	vld [tilespmem:s18+$0xFFFFFE70]  }
0x6a: {  	v44 =	vld [tilespmem:s18+$0xFFFFFE50]  }
0x6b: {  	v45 =	vld [tilespmem:s18+$0xFFFFFE30]  }
0x6c: {  	v46 =	vld [tilespmem:s18+$0xFFFFFE00]  }
0x6d: {  	v47 =	vld [tilespmem:s18+$0x1E0]  }
0x6e: {  	v48 =	vld [tilespmem:s18+$0x1C0]  }
0x6f: {  	v49 =	vld [tilespmem:s18+$0x1A0]  }
0x70: {  	v50 =	vld [tilespmem:s18+$0x180]  }
0x71: {  	v56 =	vld [tilespmem:s18+$0x140];
	v2 =	vmax.bf16 v2, v3;
	v3 =	vmax.bf16 v6, v7  }
0x72: {  	v58 =	vld [tilespmem:s18+$0x120];
	v53 =	vmax.bf16 v8, v9;
	v54 =	vmax.bf16 v10, v11;
	v55 =	vmax.bf16 v12, v13  }
0x73: {  	v61 =	vld [tilespmem:s18+$0xE0];
	v4 =	vmax.bf16 v4, v5;
	v1 =	vmax.bf16 v0, v1;
	v59 =	vmax.bf16 v20, v19  }
0x74: {  	v63 =	vld [tilespmem:s18+$0xC0];
	v60 =	vmax.bf16 v22, v21;
	v11 =	vmax.bf16 v18, v17;
	v62 =	vmax.bf16 v26, v25  }
0x75: {  	v6 =	vld [tilespmem:s18+$0x160];
	v26 =	vmax.bf16 v28, v27;
	v27 =	vmax.bf16 v30, v29;
	v28 =	vmax.bf16 v24, v23  }
0x76: {  	v0 =	vld [tilespmem:s18+$0x100];
	v30 =	vmax.bf16 v32, v31;
	v32 =	vmax.bf16 v34, v33;
	v33 =	vmax.bf16 v36, v35  }
0x77: {  	v29 =	vld [tilespmem:s18+$0xA0];
	v34 =	vmax.bf16 v38, v37;
	v40 =	vmax.bf16 v40, v39;
	v41 =	vmax.bf16 v42, v41  }
0x78: {  	v31 =	vld [tilespmem:s18+$0x80];
	v51 =	vmax.bf16 v44, v43;
	v52 =	vmax.bf16 v50, v49;
	v3 =	vmax.bf16 v3, v53  }
0x79: {  	v35 =	vld [tilespmem:s18+$0x60];
	v57 =	vmax.bf16 v54, v55;
	v2 =	vmax.bf16 v2, v4;
	v4 =	vmax.bf16 v16, v15  }
0x7a: {  	v38 =	vld [tilespmem:s18+$0x40];
	v5 =	vmax.bf16 v60, v59;
	v13 =	vmax.bf16 v27, v26;
	v8 =	vmax.bf16 v62, v28  }
0x7b: {  	v42 =	vld [tilespmem:s18+$0x20];
	v36 =	vmax.bf16 v32, v30;
	v37 =	vmax.bf16 v34, v33;
	v15 =	vmax.bf16 v41, v40  }
0x7c: {  	v53 =	vld [tilespmem:s18+$0xFFFFFE20];
	v54 =	vmax.bf16 v48, v47;
	v3 =	vmax.bf16 v3, v57;
	v8 =	vmax.bf16 v13, v8  }
0x7d: {  	v55 =	vld [tilespmem:s18+$0xFFFFFE10];
	v13 =	vmax.bf16 v37, v36;
	v57 =	vmax.bf16 v63, v61;
	v4 =	vmax.bf16 v11, v4  }
0x7e: {  	v4 =	vmax.bf16 v5, v4;
	v6 =	vmax.bf16 v56, v6;
	v0 =	vmax.bf16 v0, v58  }
0x7f: {  	v56 =	vmax.bf16 v52, v54;
	v59 =	vmax.bf16 v31, v29;
	v60 =	vmax.bf16 v38, v35  }
0x80: {  	v61 =	vmax.bf16 v14, v42;
	v0 =	vmax.bf16 v0, v6;
	v6 =	vmax.bf16 v59, v57  }
0x81: {  	v62 =	vmax.bf16 v46, v53;
	v58 =	vmax.bf16 v0, v56;
	v0 =	vmov s14  }
0x82: {  	v10 =	vmax.bf16 v61, v60;
	v7 =	vmax.bf16 v55, v45;
	v1 =	vmax.bf16 v62, v1  }
0x83: {  	v6 =	vmax.bf16 v10, v6;
	v7 =	vmax.bf16 v7, v51;
	v1 =	vmax.bf16 v1, v2  }
0x84: {  	v2 =	vmax.bf16 v6, v58;
	v63 =	vmax.bf16 v7, v15;
	v1 =	vmax.bf16 v1, v3  }
0x85: {  	s20 =	simm.s32 $0x0;
	v4 =	vmax.bf16 v8, v4;
	v3 =	vmax.bf16 v63, v13;
	v2 =	vmax.bf16 v1, v2  }
0x86: {  	s19 =	simm.s32 $0x80;
	v1 =	vmax.bf16 v3, v4;
	[tilespmem:v0+s20+$0xFFFFFFF0 ss:$0x1] =	vst.idx.msk $0xffff, v2  }
.LBB2_3:
0x87: {  	p1 =	sne.s32 s19, $0xF80  }
0x88: {  	[tilespmem:v0+s20+$0x0 ss:$0x1] =	vst.idx.msk $0xffff, v1;
	s18 =	sadd.s32 $0x400, s18;
	s20 =	smov.u32 s19;
	s19 =	sadd.s32 $0x80, s19  }
0x89: {  	v1 =	vld [tilespmem:s18+$0xFFFFFE40]  }
0x8a: {  	v2 =	vld [tilespmem:s18+$0xFFFFFE60]  }
0x8b: {  	v3 =	vld [tilespmem:s18+$0xFFFFFE80]  }
0x8c: {  	v4 =	vld [tilespmem:s18+$0xFFFFFEA0]  }
0x8d: {  	v5 =	vld [tilespmem:s18+$0xFFFFFEC0]  }
0x8e: {  	v6 =	vld [tilespmem:s18+$0xFFFFFEE0]  }
0x8f: {  	v7 =	vld [tilespmem:s18+$0xFFFFFF00];
	v1 =	vmax.bf16 v1, v2  }
0x90: {  	v8 =	vld [tilespmem:s18+$0xFFFFFF20]  }
0x91: {  	v9 =	vld [tilespmem:s18+$0xFFFFFF40];
	v2 =	vmax.bf16 v3, v4  }
0x92: {  	v4 =	vld [tilespmem:s18+$0xFFFFFF60]  }
0x93: {  	v10 =	vld [tilespmem:s18+$0xFFFFFF80];
	v3 =	vmax.bf16 v5, v6  }
0x94: {  	v5 =	vld [tilespmem:s18+$0xFFFFFFA0];
	v2 =	vmax.bf16 v2, v3  }
0x95: {  	v6 =	vld [tilespmem:s18+$0xFFFFFFC0];
	v7 =	vmax.bf16 v7, v8  }
0x96: {  	v8 =	vld [tilespmem:s18+$0xFFFFFFE0]  }
0x97: {  	v3 =	vld [tilespmem:s18+$0x0];
	v4 =	vmax.bf16 v9, v4  }
0x98: {  	v9 =	vld [tilespmem:s18+$0x1F0];
	v4 =	vmax.bf16 v7, v4  }
0x99: {  	v7 =	vld [tilespmem:s18+$0x1D0];
	v5 =	vmax.bf16 v10, v5  }
0x9a: {  	v10 =	vld [tilespmem:s18+$0x1B0]  }
0x9b: {  	v11 =	vld [tilespmem:s18+$0x190];
	v6 =	vmax.bf16 v6, v8  }
0x9c: {  	v8 =	vld [tilespmem:s18+$0x170];
	v5 =	vmax.bf16 v5, v6  }
0x9d: {  	v6 =	vld [tilespmem:s18+$0x150];
	v4 =	vmax.bf16 v4, v5  }
0x9e: {  	v5 =	vld [tilespmem:s18+$0x130];
	v7 =	vmax.bf16 v7, v9  }
0x9f: {  	v9 =	vld [tilespmem:s18+$0x110]  }
0xa0: {  	v12 =	vld [tilespmem:s18+$0xF0];
	v10 =	vmax.bf16 v11, v10  }
0xa1: {  	v11 =	vld [tilespmem:s18+$0xD0]  }
0xa2: {  	v13 =	vld [tilespmem:s18+$0xB0];
	v6 =	vmax.bf16 v6, v8  }
0xa3: {  	v8 =	vld [tilespmem:s18+$0x90]  }
0xa4: {  	v14 =	vld [tilespmem:s18+$0x70];
	v5 =	vmax.bf16 v9, v5  }
0xa5: {  	v9 =	vld [tilespmem:s18+$0x50];
	v5 =	vmax.bf16 v5, v6  }
0xa6: {  	v6 =	vld [tilespmem:s18+$0x30]  }
0xa7: {  	v15 =	vld [tilespmem:s18+$0x10]  }
0xa8: {  	v16 =	vld [tilespmem:s18+$0xFFFFFFF0];
	v8 =	vmax.bf16 v8, v13  }
0xa9: {  	v13 =	vld [tilespmem:s18+$0xFFFFFFD0]  }
0xaa: {  	v17 =	vld [tilespmem:s18+$0xFFFFFFB0];
	v9 =	vmax.bf16 v9, v14  }
0xab: {  	v14 =	vld [tilespmem:s18+$0xFFFFFF90]  }
0xac: {  	v11 =	vmax.bf16 v11, v12;
	v18 =	vld [tilespmem:s18+$0xFFFFFF70];
	v6 =	vmax.bf16 v15, v6  }
0xad: {  	v8 =	vmax.bf16 v8, v11;
	v12 =	vld [tilespmem:s18+$0xFFFFFF50];
	v6 =	vmax.bf16 v6, v9  }
0xae: {  	v9 =	vld [tilespmem:s18+$0xFFFFFF30];
	v11 =	vmax.bf16 v13, v16;
	v6 =	vmax.bf16 v6, v8  }
0xaf: {  	v8 =	vld [tilespmem:s18+$0xFFFFFF10]  }
0xb0: {  	v13 =	vld [tilespmem:s18+$0xFFFFFEF0];
	v14 =	vmax.bf16 v14, v17  }
0xb1: {  	v15 =	vld [tilespmem:s18+$0xFFFFFED0];
	v11 =	vmax.bf16 v14, v11  }
0xb2: {  	v14 =	vld [tilespmem:s18+$0xFFFFFEB0];
	v12 =	vmax.bf16 v12, v18  }
0xb3: {  	v16 =	vld [tilespmem:s18+$0xFFFFFE90]  }
0xb4: {  	v17 =	vld [tilespmem:s18+$0xFFFFFE70];
	v8 =	vmax.bf16 v8, v9  }
0xb5: {  	v9 =	vld [tilespmem:s18+$0xFFFFFE50];
	v8 =	vmax.bf16 v8, v12  }
0xb6: {  	v12 =	vld [tilespmem:s18+$0xFFFFFE30];
	v13 =	vmax.bf16 v15, v13;
	v8 =	vmax.bf16 v8, v11  }
0xb7: {  	v11 =	vld [tilespmem:s18+$0xFFFFFE00]  }
0xb8: {  	v15 =	vld [tilespmem:s18+$0x1E0];
	v14 =	vmax.bf16 v16, v14  }
0xb9: {  	v16 =	vld [tilespmem:s18+$0x1C0];
	v13 =	vmax.bf16 v14, v13  }
0xba: {  	v14 =	vld [tilespmem:s18+$0x1A0];
	v9 =	vmax.bf16 v9, v17  }
0xbb: {  	v17 =	vld [tilespmem:s18+$0x180]  }
0xbc: {  	v18 =	vld [tilespmem:s18+$0x160]  }
0xbd: {  	v19 =	vld [tilespmem:s18+$0x140]  }
0xbe: {  	v20 =	vld [tilespmem:s18+$0x120]  }
0xbf: {  	v21 =	vld [tilespmem:s18+$0x100]  }
0xc0: {  	v15 =	vmax.bf16 v16, v15;
	v22 =	vld [tilespmem:s18+$0xE0];
	v14 =	vmax.bf16 v17, v14  }
0xc1: {  	v16 =	vld [tilespmem:s18+$0xC0];
	v14 =	vmax.bf16 v14, v15  }
0xc2: {  	v15 =	vld [tilespmem:s18+$0xA0];
	v17 =	vmax.bf16 v19, v18  }
0xc3: {  	v18 =	vld [tilespmem:s18+$0x80]  }
0xc4: {  	v19 =	vld [tilespmem:s18+$0x60];
	v20 =	vmax.bf16 v21, v20  }
0xc5: {  	v21 =	vld [tilespmem:s18+$0x40];
	v17 =	vmax.bf16 v20, v17  }
0xc6: {  	v20 =	vld [tilespmem:s18+$0x20];
	v16 =	vmax.bf16 v16, v22;
	v14 =	vmax.bf16 v17, v14  }
0xc7: {  	v17 =	vld [tilespmem:s18+$0xFFFFFE20]  }
0xc8: {  	v22 =	vld [tilespmem:s18+$0xFFFFFE10];
	v15 =	vmax.bf16 v18, v15  }
0xc9: {  	v15 =	vmax.bf16 v15, v16  }
0xca: {  	v16 =	vmax.bf16 v21, v19  }
0xcb: {  	v3 =	vmax.bf16 v3, v20  }
0xcc: {  	v7 =	vmax.bf16 v10, v7;
	v11 =	vmax.bf16 v11, v17;
	v3 =	vmax.bf16 v3, v16  }
.Ltmp0:
0xcd: {  	v10 =	vmax.bf16 v22, v12;
	v1 =	vmax.bf16 v11, v1;
	v3 =	vmax.bf16 v3, v15;
	(pc) =	sbr.rel @p1 .LBB2_3-.Ltmp0, $4  }
0xce: {  	v9 =	vmax.bf16 v10, v9;
	v1 =	vmax.bf16 v1, v2;
	v2 =	vmax.bf16 v3, v14  }
0xcf: {  	v5 =	vmax.bf16 v5, v7;
	v3 =	vmax.bf16 v9, v13;
	v1 =	vmax.bf16 v1, v4  }
0xd0: {  	s20 =	sshra.s32 s20, $0x2;
	v4 =	vmax.bf16 v6, v5;
	v3 =	vmax.bf16 v3, v8;
	v2 =	vmax.bf16 v1, v2  }
0xd1: {  	v1 =	vmax.bf16 v3, v4;
	[tilespmem:v0+s20+$0xFFFFFFF0 ss:$0x1] =	vst.idx.msk $0xffff, v2  }
0xd2: {  	_ =	sdelay $0x1  }
0xd3: {  	p1 =	seq.s32 s16, $0x4  }
0xd4: {  	s17 =	sshra.s32 @!p1 s17, $0x2  }
0xd5: {  	[tilespmem:v0+s20+$0x0 ss:$0x1] =	vst.idx.msk $0xffff, v1;
	s19 =	simm.s32 @!p1 $0x80;
	s20 =	simm.s32 @!p1 $0x2800;
	s18 =	sadd.s32 @!p1 $0x800, s17  }
0xd6: {  	[tilespmem:s20], [sflag:$0x1] =	stream.indirect.gather @!p1 [spmem:s1], $0x20, s18, s19, $0xb8;
	[tilespmem:$0x19E20] =	vst v63  }
0xd7: {  	s18 =	sadd.s32 @!p1 $0x880, s17;
	s20 =	simm.s32 @!p1 $0x3800  }
0xd8: {  	[tilespmem:s20], [sflag:$0x1] =	stream.indirect.gather @!p1 [spmem:s1], $0x20, s18, s19, $0xb8;
	[tilespmem:$0x19E20] =	vst v63  }
0xd9: {  	s18 =	sadd.s32 @!p1 $0x900, s17;
	s20 =	simm.s32 @!p1 $0x4800  }
0xda: {  	[tilespmem:s20], [sflag:$0x1] =	stream.indirect.gather @!p1 [spmem:s1], $0x20, s18, s19, $0xb8;
	[tilespmem:$0x19E20] =	vst v63  }
0xdb: {  	s18 =	sadd.s32 @!p1 $0x980, s17;
	s20 =	simm.s32 @!p1 $0x5800  }
0xdc: {  	[tilespmem:s20], [sflag:$0x1] =	stream.indirect.gather @!p1 [spmem:s1], $0x20, s18, s19, $0xb8;
	[tilespmem:$0x19E20] =	vst v63  }
0xdd: {  	s18 =	sadd.s32 @!p1 $0xA00, s17;
	s20 =	simm.s32 @!p1 $0x6800  }
0xde: {  	[tilespmem:s20], [sflag:$0x1] =	stream.indirect.gather @!p1 [spmem:s1], $0x20, s18, s19, $0xb8;
	[tilespmem:$0x19E20] =	vst v63  }
0xdf: {  	s18 =	sadd.s32 @!p1 $0xA80, s17;
	s20 =	simm.s32 @!p1 $0x7800  }
0xe0: {  	[tilespmem:s20], [sflag:$0x1] =	stream.indirect.gather @!p1 [spmem:s1], $0x20, s18, s19, $0xb8;
	[tilespmem:$0x19E20] =	vst v63  }
0xe1: {  	s18 =	sadd.s32 @!p1 $0xB00, s17;
	s20 =	simm.s32 @!p1 $0x8800  }
0xe2: {  	[tilespmem:s20], [sflag:$0x1] =	stream.indirect.gather @!p1 [spmem:s1], $0x20, s18, s19, $0xb8;
	[tilespmem:$0x19E20] =	vst v63  }
0xe3: {  	s17 =	sadd.s32 @!p1 $0xB80, s17;
	s18 =	simm.s32 @!p1 $0x9800  }
0xe4: {  	[tilespmem:s18], [sflag:$0x1] =	stream.indirect.gather @!p1 [spmem:s1], $0x20, s17, s19, $0xb8;
	[tilespmem:$0x19E20] =	vst v63  }
0xe5: {  	_ =	swait.ge [sflag:s11], $0x8000  }
0xe6: {  	[sflag:s11] =	ssyncset.done $0x0  }
0xe7: {  	s20 =	simm.s32 $0x0;
	[sflag:s11] =	ssyncadd.s32 $0xFFFF8000  }
0xe8: {  	v0 =	vld [tilespmem:s20+$0xA830]  }
0xe9: {  	v1 =	vld [tilespmem:s20+$0xA850]  }
0xea: {  	v2 =	vld [tilespmem:s20+$0xA870]  }
0xeb: {  	v3 =	vld [tilespmem:s20+$0xA890]  }
0xec: {  	v4 =	vld [tilespmem:s20+$0xA8B0]  }
0xed: {  	v5 =	vld [tilespmem:s20+$0xA8D0]  }
0xee: {  	v6 =	vld [tilespmem:s20+$0xA8F0]  }
0xef: {  	v7 =	vld [tilespmem:s20+$0xA910]  }
0xf0: {  	v8 =	vld [tilespmem:s20+$0xA930]  }
0xf1: {  	v9 =	vld [tilespmem:s20+$0xA950]  }
0xf2: {  	v10 =	vld [tilespmem:s20+$0xA970]  }
0xf3: {  	v11 =	vld [tilespmem:s20+$0xA990]  }
0xf4: {  	v12 =	vld [tilespmem:s20+$0xA9B0]  }
0xf5: {  	v13 =	vld [tilespmem:s20+$0xA9D0]  }
0xf6: {  	v14 =	vld [tilespmem:s20+$0xA9F0]  }
0xf7: {  	v15 =	vld [tilespmem:s20+$0xAA10]  }
0xf8: {  	v16 =	vld [tilespmem:s20+$0xAA30]  }
0xf9: {  	v17 =	vld [tilespmem:s20+$0xAA50]  }
0xfa: {  	v18 =	vld [tilespmem:s20+$0xAA70]  }
0xfb: {  	v19 =	vld [tilespmem:s20+$0xAA90]  }
0xfc: {  	v20 =	vld [tilespmem:s20+$0xAAB0]  }
0xfd: {  	v21 =	vld [tilespmem:s20+$0xAAD0]  }
0xfe: {  	v22 =	vld [tilespmem:s20+$0xAAF0]  }
0xff: {  	v23 =	vld [tilespmem:s20+$0xAB10]  }
0x100: {  	v24 =	vld [tilespmem:s20+$0xAB30]  }
0x101: {  	v25 =	vld [tilespmem:s20+$0xAB50]  }
0x102: {  	v26 =	vld [tilespmem:s20+$0xAB70]  }
0x103: {  	v27 =	vld [tilespmem:s20+$0xAB90]  }
0x104: {  	v28 =	vld [tilespmem:s20+$0xABB0]  }
0x105: {  	v29 =	vld [tilespmem:s20+$0xABD0]  }
0x106: {  	v30 =	vld [tilespmem:s20+$0xABF0]  }
0x107: {  	v31 =	vld [tilespmem:s20+$0xA8E0]  }
0x108: {  	v32 =	vld [tilespmem:s20+$0xA880]  }
0x109: {  	v33 =	vld [tilespmem:s20+$0xA8A0]  }
0x10a: {  	v34 =	vld [tilespmem:s20+$0xA840]  }
0x10b: {  	v35 =	vld [tilespmem:s20+$0xA860]  }
0x10c: {  	v36 =	vld [tilespmem:s20+$0xA900]  }
0x10d: {  	v37 =	vld [tilespmem:s20+$0xA920]  }
0x10e: {  	v38 =	vld [tilespmem:s20+$0xA940]  }
0x10f: {  	v39 =	vld [tilespmem:s20+$0xA960]  }
0x110: {  	v40 =	vld [tilespmem:s20+$0xA980]  }
0x111: {  	v41 =	vld [tilespmem:s20+$0xA9A0]  }
0x112: {  	v42 =	vld [tilespmem:s20+$0xA9C0]  }
0x113: {  	v43 =	vld [tilespmem:s20+$0xA9E0]  }
0x114: {  	v44 =	vld [tilespmem:s20+$0xAA00]  }
0x115: {  	v45 =	vld [tilespmem:s20+$0xAA20]  }
0x116: {  	v46 =	vld [tilespmem:s20+$0xAA40]  }
0x117: {  	v47 =	vld [tilespmem:s20+$0xAA60]  }
0x118: {  	v48 =	vld [tilespmem:s20+$0xAA80]  }
0x119: {  	v49 =	vld [tilespmem:s20+$0xAAA0]  }
0x11a: {  	v50 =	vld [tilespmem:s20+$0xAAC0]  }
0x11b: {  	v60 =	vld [tilespmem:s20+$0xAAE0];
	v36 =	vmax.bf16 v36, v37  }
0x11c: {  	v38 =	vmax.bf16 v38, v39;
	v61 =	vmax.bf16 v40, v41;
	v29 =	vmax.bf16 v29, v30;
	v30 =	vld [tilespmem:s20+$0xAB00]  }
0x11d: {  	v23 =	vmax.bf16 v23, v24;
	v24 =	vmax.bf16 v25, v26;
	v25 =	vmax.bf16 v27, v28;
	v26 =	vld [tilespmem:s20+$0xA810]  }
0x11e: {  	v27 =	vmax.bf16 v42, v43;
	v17 =	vmax.bf16 v17, v18;
	v18 =	vmax.bf16 v19, v20;
	v20 =	vld [tilespmem:s20+$0xAB60]  }
0x11f: {  	v28 =	vmax.bf16 v44, v45;
	v11 =	vmax.bf16 v11, v12;
	v12 =	vmax.bf16 v13, v14;
	v14 =	vld [tilespmem:s20+$0xAB80]  }
0x120: {  	v19 =	vmax.bf16 v21, v22;
	v13 =	vmax.bf16 v15, v16;
	v15 =	vld [tilespmem:s20+$0xABA0];
	v5 =	vmax.bf16 v5, v6  }
0x121: {  	v6 =	vmax.bf16 v7, v8;
	v7 =	vmax.bf16 v9, v10;
	v8 =	vld [tilespmem:s20+$0xABC0];
	v1 =	vmax.bf16 v1, v2  }
0x122: {  	v2 =	vmax.bf16 v3, v4;
	v3 =	vld [tilespmem:s20+$0xABE0];
	v10 =	vmax.bf16 v48, v49;
	v23 =	vmax.bf16 v23, v24  }
0x123: {  	v24 =	vmax.bf16 v25, v29;
	v25 =	vld [tilespmem:s20+$0xAB20];
	v11 =	vmax.bf16 v11, v12;
	v12 =	vmax.bf16 v13, v17  }
0x124: {  	v13 =	vmax.bf16 v18, v19;
	v23 =	vmax.bf16 v23, v24;
	v24 =	vld [tilespmem:s20+$0xAB40];
	v0 =	vmax.bf16 v26, v0  }
0x125: {  	v4 =	vld [tilespmem:s20+$0xA800];
	v0 =	vmax.bf16 v0, v1;
	v1 =	vmax.bf16 v2, v5;
	v2 =	vmax.bf16 v6, v7  }
0x126: {  	v5 =	vld [tilespmem:s20+$0xA820];
	v0 =	vmax.bf16 v0, v1;
	v1 =	vmax.bf16 v2, v11;
	v2 =	vmax.bf16 v12, v13  }
0x127: {  	v29 =	vmax.bf16 v46, v47;
	v0 =	vmax.bf16 v0, v1;
	v1 =	vmax.bf16 v2, v23;
	v2 =	vld [tilespmem:s20+$0xA8C0]  }
0x128: {  	v3 =	vmax.bf16 v8, v3;
	v8 =	vmax.bf16 v28, v29;
	v7 =	vmax.bf16 v50, v60  }
0x129: {  	v9 =	vmax.bf16 v30, v25;
	v6 =	vmax.bf16 v24, v20;
	v11 =	vmax.bf16 v14, v15  }
0x12a: {  	v7 =	vmax.bf16 v10, v7;
	v6 =	vmax.bf16 v9, v6;
	v3 =	vmax.bf16 v11, v3  }
0x12b: {  	v7 =	vmax.bf16 v8, v7;
	v8 =	vmax.bf16 v34, v35;
	v9 =	vmax.bf16 v32, v33  }
0x12c: {  	v4 =	vmax.bf16 v4, v5;
	v5 =	vmax.bf16 v36, v38;
	v2 =	vmax.bf16 v2, v31  }
0x12d: {  	v4 =	vmax.bf16 v4, v8;
	v8 =	vmax.bf16 v61, v27;
	v2 =	vmax.bf16 v9, v2  }
0x12e: {  	v3 =	vmax.bf16 v6, v3;
	v2 =	vmax.bf16 v4, v2;
	v4 =	vmax.bf16 v5, v8  }
0x12f: {  	v0 =	vmax.bf16 v0, v1;
	v1 =	vmax.bf16 v2, v4;
	v2 =	vmax.bf16 v7, v3  }
0x130: {  	[tilespmem:s15+$0x0] =	vst v0;
	v0 =	vmax.bf16 v1, v2  }
0x131: {  	s17 =	simm.s32 $0x400;
	[tilespmem:s15+$0xFFFFFFF0] =	vst v0  }
0x132: {  	v0 =	vld [tilespmem:s17+$0xA830]  }
0x133: {  	v1 =	vld [tilespmem:s17+$0xA850]  }
0x134: {  	v2 =	vld [tilespmem:s17+$0xA870]  }
0x135: {  	v3 =	vld [tilespmem:s17+$0xA890]  }
0x136: {  	v4 =	vld [tilespmem:s17+$0xA8B0]  }
0x137: {  	v6 =	vld [tilespmem:s17+$0xA8D0]  }
0x138: {  	v7 =	vld [tilespmem:s17+$0xA8F0]  }
0x139: {  	v8 =	vld [tilespmem:s17+$0xA910]  }
0x13a: {  	v10 =	vld [tilespmem:s17+$0xA930]  }
0x13b: {  	v12 =	vld [tilespmem:s17+$0xA950]  }
0x13c: {  	v13 =	vld [tilespmem:s17+$0xA970]  }
0x13d: {  	v18 =	vld [tilespmem:s17+$0xA990]  }
0x13e: {  	v19 =	vld [tilespmem:s17+$0xA9B0]  }
0x13f: {  	v20 =	vld [tilespmem:s17+$0xA9D0]  }
0x140: {  	v21 =	vld [tilespmem:s17+$0xA9F0]  }
0x141: {  	v22 =	vld [tilespmem:s17+$0xAA10]  }
0x142: {  	v23 =	vld [tilespmem:s17+$0xAA30]  }
0x143: {  	v28 =	vld [tilespmem:s17+$0xAA50]  }
0x144: {  	v29 =	vld [tilespmem:s17+$0xAA70]  }
0x145: {  	v30 =	vld [tilespmem:s17+$0xAA90]  }
0x146: {  	v31 =	vld [tilespmem:s17+$0xAAB0]  }
0x147: {  	v32 =	vld [tilespmem:s17+$0xAAD0]  }
0x148: {  	v33 =	vld [tilespmem:s17+$0xAAF0]  }
0x149: {  	v38 =	vld [tilespmem:s17+$0xAB10]  }
0x14a: {  	v62 =	vld [tilespmem:s17+$0xAB30]  }
0x14b: {  	v41 =	vld [tilespmem:s17+$0xAB50]  }
0x14c: {  	v42 =	vld [tilespmem:s17+$0xAB70]  }
0x14d: {  	v43 =	vld [tilespmem:s17+$0xAB90]  }
0x14e: {  	v63 =	vld [tilespmem:s17+$0xABB0]  }
0x14f: {  	v52 =	vld [tilespmem:s17+$0xABD0]  }
0x150: {  	v53 =	vld [tilespmem:s17+$0xABF0]  }
0x151: {  	v5 =	vld [tilespmem:s17+$0xA8E0]  }
0x152: {  	v9 =	vld [tilespmem:s17+$0xA880]  }
0x153: {  	v11 =	vld [tilespmem:s17+$0xA8A0]  }
0x154: {  	v14 =	vld [tilespmem:s17+$0xA840]  }
0x155: {  	v15 =	vld [tilespmem:s17+$0xA860]  }
0x156: {  	v16 =	vld [tilespmem:s17+$0xA800]  }
0x157: {  	v17 =	vld [tilespmem:s17+$0xA820]  }
0x158: {  	v24 =	vld [tilespmem:s17+$0xA900]  }
0x159: {  	v25 =	vld [tilespmem:s17+$0xA920]  }
0x15a: {  	v26 =	vld [tilespmem:s17+$0xA940]  }
0x15b: {  	v27 =	vld [tilespmem:s17+$0xA960]  }
0x15c: {  	v54 =	vld [tilespmem:s17+$0xA980]  }
0x15d: {  	v55 =	vld [tilespmem:s17+$0xA9A0]  }
0x15e: {  	v56 =	vld [tilespmem:s17+$0xA9C0]  }
0x15f: {  	v57 =	vld [tilespmem:s17+$0xA9E0]  }
0x160: {  	v58 =	vld [tilespmem:s17+$0xAA00]  }
0x161: {  	v59 =	vld [tilespmem:s17+$0xAA20]  }
0x162: {  	v60 =	vld [tilespmem:s17+$0xAA40]  }
0x163: {  	v61 =	vld [tilespmem:s17+$0xAA60]  }
0x164: {  	v34 =	vld [tilespmem:s17+$0xAA80]  }
0x165: {  	v36 =	vld [tilespmem:s17+$0xAAA0];
	v25 =	vmax.bf16 v24, v25;
	v27 =	vmax.bf16 v26, v27;
	v24 =	vmax.bf16 v54, v55  }
0x166: {  	v37 =	vld [tilespmem:s17+$0xAAC0];
	v26 =	vmax.bf16 v56, v57;
	v35 =	vmax.bf16 v58, v59;
	v45 =	vmax.bf16 v52, v53  }
0x167: {  	v39 =	vld [tilespmem:s17+$0xAAE0];
	v62 =	vmax.bf16 v38, v62;
	v41 =	vmax.bf16 v41, v42;
	v63 =	vmax.bf16 v43, v63  }
0x168: {  	s19 =	simm.s32 $0x2000;
	s18 =	smov.u32 s15;
	v40 =	vld [tilespmem:s17+$0xAB00];
	v38 =	vmax.bf16 v60, v61;
	v41 =	vmax.bf16 v62, v41;
	v42 =	vmax.bf16 v63, v45  }
.LBB2_5:
0x169: {  	p1 =	sne.s32 s19, $0x1F000;
	v43 =	vld [tilespmem:s17+$0xA810];
	v41 =	vmax.bf16 v41, v42  }
0x16a: {  	v28 =	vmax.bf16 v28, v29;
	v29 =	vmax.bf16 v30, v31;
	v30 =	vmax.bf16 v32, v33;
	v42 =	vld [tilespmem:s17+$0xAB20]  }
0x16b: {  	v18 =	vmax.bf16 v18, v19;
	v19 =	vmax.bf16 v20, v21;
	v20 =	vmax.bf16 v22, v23;
	v31 =	vld [tilespmem:s17+$0xAB40]  }
0x16c: {  	v18 =	vmax.bf16 v18, v19;
	v19 =	vmax.bf16 v20, v28;
	v20 =	vmax.bf16 v29, v30;
	v21 =	vld [tilespmem:s17+$0xAB60]  }
0x16d: {  	v6 =	vmax.bf16 v6, v7;
	v7 =	vmax.bf16 v8, v10;
	v8 =	vmax.bf16 v12, v13;
	v22 =	vld [tilespmem:s17+$0xAB80]  }
0x16e: {  	v1 =	vmax.bf16 v1, v2;
	v2 =	vmax.bf16 v3, v4;
	v10 =	vld [tilespmem:s17+$0xABA0];
	v0 =	vmax.bf16 v43, v0  }
0x16f: {  	v3 =	vld [tilespmem:s17+$0xABC0];
	v0 =	vmax.bf16 v0, v1;
	v1 =	vmax.bf16 v2, v6;
	v2 =	vmax.bf16 v7, v8  }
0x170: {  	v4 =	vld [tilespmem:s17+$0xABE0];
	v0 =	vmax.bf16 v0, v1;
	v1 =	vmax.bf16 v2, v18;
	v2 =	vmax.bf16 v19, v20  }
0x171: {  	v6 =	vmax.bf16 v31, v21;
	v0 =	vmax.bf16 v0, v1;
	v1 =	vmax.bf16 v2, v41  }
0x172: {  	s18 =	sadd.s32 $0x20, s18;
	v7 =	vmax.bf16 v40, v42;
	v2 =	vmax.bf16 v37, v39;
	v0 =	vmax.bf16 v0, v1  }
0x173: {  	v8 =	vmax.bf16 v34, v36;
	v1 =	vld [tilespmem:s17+$0xA8C0];
	v10 =	vmax.bf16 v22, v10;
	[tilespmem:s18+$0x0] =	vst v0;
	_ =	sdelay $0x1  }
0x174: {  	v0 =	vmax.bf16 v3, v4;
	v3 =	vmax.bf16 v35, v38  }
0x175: {  	v2 =	vmax.bf16 v8, v2;
	v4 =	vmax.bf16 v7, v6;
	v0 =	vmax.bf16 v10, v0  }
0x176: {  	v6 =	vmax.bf16 v16, v17;
	v7 =	vmax.bf16 v25, v27;
	v2 =	vmax.bf16 v3, v2  }
0x177: {  	v8 =	vmax.bf16 v9, v11;
	v3 =	vmax.bf16 v14, v15;
	v1 =	vmax.bf16 v1, v5  }
0x178: {  	v3 =	vmax.bf16 v6, v3;
	v5 =	vmax.bf16 v24, v26;
	v1 =	vmax.bf16 v8, v1  }
0x179: {  	v0 =	vmax.bf16 v4, v0;
	v1 =	vmax.bf16 v3, v1;
	v3 =	vmax.bf16 v7, v5  }
0x17a: {  	v0 =	vmax.bf16 v2, v0;
	v1 =	vmax.bf16 v1, v3  }
0x17b: {  	v0 =	vmax.bf16 v1, v0  }
0x17c: {  	s17 =	sshra.s32 s19, $0x2;
	[tilespmem:s18+$0xFFFFFFF0] =	vst v0  }
0x17d: {  	v0 =	vld [tilespmem:s17+$0xA830]  }
0x17e: {  	v1 =	vld [tilespmem:s17+$0xA850]  }
0x17f: {  	v2 =	vld [tilespmem:s17+$0xA870]  }
0x180: {  	v3 =	vld [tilespmem:s17+$0xA890]  }
0x181: {  	v4 =	vld [tilespmem:s17+$0xA8B0]  }
0x182: {  	v6 =	vld [tilespmem:s17+$0xA8D0]  }
0x183: {  	v7 =	vld [tilespmem:s17+$0xA8F0]  }
0x184: {  	v8 =	vld [tilespmem:s17+$0xA910]  }
0x185: {  	v10 =	vld [tilespmem:s17+$0xA930]  }
0x186: {  	v12 =	vld [tilespmem:s17+$0xA950]  }
0x187: {  	v13 =	vld [tilespmem:s17+$0xA970]  }
0x188: {  	v18 =	vld [tilespmem:s17+$0xA990]  }
0x189: {  	v19 =	vld [tilespmem:s17+$0xA9B0]  }
0x18a: {  	v20 =	vld [tilespmem:s17+$0xA9D0]  }
0x18b: {  	v21 =	vld [tilespmem:s17+$0xA9F0]  }
0x18c: {  	v22 =	vld [tilespmem:s17+$0xAA10]  }
0x18d: {  	v23 =	vld [tilespmem:s17+$0xAA30]  }
0x18e: {  	v28 =	vld [tilespmem:s17+$0xAA50]  }
0x18f: {  	v29 =	vld [tilespmem:s17+$0xAA70]  }
0x190: {  	v30 =	vld [tilespmem:s17+$0xAA90]  }
0x191: {  	v31 =	vld [tilespmem:s17+$0xAAB0]  }
0x192: {  	v32 =	vld [tilespmem:s17+$0xAAD0]  }
0x193: {  	v33 =	vld [tilespmem:s17+$0xAAF0]  }
0x194: {  	v38 =	vld [tilespmem:s17+$0xAB10]  }
0x195: {  	v40 =	vld [tilespmem:s17+$0xAB30]  }
0x196: {  	v41 =	vld [tilespmem:s17+$0xAB50]  }
0x197: {  	v42 =	vld [tilespmem:s17+$0xAB70]  }
0x198: {  	v43 =	vld [tilespmem:s17+$0xAB90]  }
0x199: {  	v44 =	vld [tilespmem:s17+$0xABB0]  }
0x19a: {  	v39 =	vld [tilespmem:s17+$0xABD0]  }
0x19b: {  	v45 =	vld [tilespmem:s17+$0xABF0]  }
0x19c: {  	v5 =	vld [tilespmem:s17+$0xA8E0]  }
0x19d: {  	v9 =	vld [tilespmem:s17+$0xA880]  }
0x19e: {  	v11 =	vld [tilespmem:s17+$0xA8A0]  }
0x19f: {  	v14 =	vld [tilespmem:s17+$0xA840]  }
0x1a0: {  	v15 =	vld [tilespmem:s17+$0xA860]  }
0x1a1: {  	v16 =	vld [tilespmem:s17+$0xA800]  }
0x1a2: {  	v17 =	vld [tilespmem:s17+$0xA820]  }
0x1a3: {  	v24 =	vld [tilespmem:s17+$0xA900]  }
0x1a4: {  	v25 =	vld [tilespmem:s17+$0xA920]  }
0x1a5: {  	v26 =	vld [tilespmem:s17+$0xA940]  }
0x1a6: {  	v27 =	vld [tilespmem:s17+$0xA960]  }
0x1a7: {  	v34 =	vld [tilespmem:s17+$0xA980]  }
0x1a8: {  	v35 =	vld [tilespmem:s17+$0xA9A0]  }
0x1a9: {  	v36 =	vld [tilespmem:s17+$0xA9C0];
	v25 =	vmax.bf16 v24, v25  }
0x1aa: {  	v37 =	vld [tilespmem:s17+$0xA9E0]  }
0x1ab: {  	v46 =	vld [tilespmem:s17+$0xAA00];
	v27 =	vmax.bf16 v26, v27  }
0x1ac: {  	v47 =	vld [tilespmem:s17+$0xAA20]  }
0x1ad: {  	v48 =	vld [tilespmem:s17+$0xAA40];
	v24 =	vmax.bf16 v34, v35  }
0x1ae: {  	v49 =	vld [tilespmem:s17+$0xAA60]  }
.Ltmp1:
0x1af: {  	v34 =	vld [tilespmem:s17+$0xAA80];
	v26 =	vmax.bf16 v36, v37;
	(pc) =	sbr.rel @p1 .LBB2_5-.Ltmp1, $4  }
0x1b0: {  	v36 =	vld [tilespmem:s17+$0xAAA0]  }
0x1b1: {  	v45 =	vmax.bf16 v39, v45;
	v37 =	vld [tilespmem:s17+$0xAAC0];
	v35 =	vmax.bf16 v46, v47  }
0x1b2: {  	v41 =	vmax.bf16 v41, v42;
	v42 =	vmax.bf16 v43, v44;
	v46 =	vmax.bf16 v38, v40;
	v39 =	vld [tilespmem:s17+$0xAAE0]  }
0x1b3: {  	s19 =	sadd.s32 $0x1000, s19;
	v42 =	vmax.bf16 v42, v45;
	v41 =	vmax.bf16 v46, v41;
	v40 =	vld [tilespmem:s17+$0xAB00];
	v38 =	vmax.bf16 v48, v49  }
0x1b4: {  	v43 =	vld [tilespmem:s17+$0xA810]  }
0x1b5: {  	v44 =	vld [tilespmem:s17+$0xAB20]  }
0x1b6: {  	v41 =	vmax.bf16 v41, v42;
	v54 =	vld [tilespmem:s17+$0xAB40]  }
0x1b7: {  	v28 =	vmax.bf16 v28, v29;
	v55 =	vmax.bf16 v30, v31;
	v56 =	vmax.bf16 v32, v33;
	v57 =	vld [tilespmem:s17+$0xAB60]  }
0x1b8: {  	v18 =	vmax.bf16 v18, v19;
	v58 =	vmax.bf16 v20, v21;
	v59 =	vmax.bf16 v22, v23;
	v60 =	vld [tilespmem:s17+$0xAB80]  }
0x1b9: {  	v63 =	vld [tilespmem:s17+$0xABA0];
	v6 =	vmax.bf16 v6, v7;
	v23 =	vmax.bf16 v8, v10;
	v1 =	vmax.bf16 v1, v2  }
0x1ba: {  	v29 =	vld [tilespmem:s17+$0xABC0];
	v30 =	vmax.bf16 v3, v4;
	v9 =	vmax.bf16 v9, v11;
	v18 =	vmax.bf16 v18, v58  }
0x1bb: {  	v32 =	vld [tilespmem:s17+$0xABE0];
	v61 =	vmax.bf16 v59, v28;
	v62 =	vmax.bf16 v55, v56;
	v28 =	vmax.bf16 v12, v13  }
0x1bc: {  	v49 =	vld [tilespmem:s17+$0xA8C0];
	v33 =	vmax.bf16 v30, v6;
	v52 =	vmax.bf16 v34, v36;
	v55 =	vmax.bf16 v16, v17  }
0x1bd: {  	v56 =	vmax.bf16 v25, v27;
	v46 =	vmax.bf16 v61, v62;
	v50 =	vmax.bf16 v37, v39  }
0x1be: {  	v59 =	vmax.bf16 v24, v26;
	v48 =	vmax.bf16 v46, v41;
	v6 =	vmax.bf16 v52, v50  }
0x1bf: {  	v0 =	vmax.bf16 v43, v0;
	v43 =	vmax.bf16 v23, v28;
	v47 =	vmax.bf16 v54, v57  }
0x1c0: {  	v51 =	vmax.bf16 v40, v44;
	v53 =	vmax.bf16 v60, v63;
	v3 =	vmax.bf16 v29, v32  }
0x1c1: {  	v54 =	vmax.bf16 v35, v38;
	v57 =	vmax.bf16 v14, v15;
	v2 =	vmax.bf16 v49, v5  }
0x1c2: {  	s16 =	sadd.s32 $0x1, s16;
	v60 =	vmax.bf16 v56, v59;
	v0 =	vmax.bf16 v0, v1;
	v45 =	vmax.bf16 v43, v18  }
0x1c3: {  	p1 =	sne.s32 s16, $0x5;
	v4 =	vmax.bf16 v51, v47;
	v3 =	vmax.bf16 v53, v3;
	v6 =	vmax.bf16 v54, v6  }
.Ltmp2:
0x1c4: {  	v58 =	vmax.bf16 v55, v57;
	v2 =	vmax.bf16 v9, v2;
	v0 =	vmax.bf16 v0, v33;
	(pc) =	sbr.rel @p1 .LBB2_2-.Ltmp2, $4  }
0x1c5: {  	v2 =	vmax.bf16 v58, v2;
	v3 =	vmax.bf16 v4, v3;
	v0 =	vmax.bf16 v0, v45  }
0x1c6: {  	s20 =	sadd.s32 $0x20, s18;
	v61 =	vmax.bf16 v2, v60;
	v62 =	vmax.bf16 v6, v3;
	v0 =	vmax.bf16 v0, v48  }
0x1c7: {  	v63 =	vmax.bf16 v61, v62;
	[tilespmem:s20+$0x0] =	vst v0  }
0x1c8: {  	s14 =	sadd.s32 $0x800, s14;
	s15 =	sadd.s32 $0x800, s15;
	[tilespmem:s20+$0xFFFFFFF0] =	vst v63  }
0x1c9: {  	s13 =	sadd.s32 $0x1, s13  }
0x1ca: {  	p1 =	sne.s32 s13, s6  }
.Ltmp3:
0x1cb: {  	_ = 	snop;
	(pc) =	sbr.rel @p1 .LBB2_1-.Ltmp3, $4  }
0x1cc: {  	[hbm4b:s5+s2] =	stream.linear.scatter [tilespmem:s12], [sflag:$0x3], $0x2800, $0x38;
	[tilespmem:$0x19E20] =	vst v63  }
0x1cd: {  	_ =	swait.ge [sflag:s8], $0x2800  }
0x1ce: {  	[sflag:s8] =	ssyncset.done $0x0  }
0x1cf: {  	[sflag:s8] =	ssyncadd.s32 $0xFFFFD800  }
0x1d0: {  	_ =	sfence.sel $0x180000  }
0x1d1: {  	[bflag:$0x0] =	sbarrier.arrive $0xFFFF  }
0x1d2: {  	_ =	strace $0x90000047  }
0x1d3: {  	[bflag:$0x2] =	sbarrier.arrive $0xFFFF  }
0x1d4: {  	s0 =	rddreg [dreg:$0x3]  }
0x1d5: {  	s0 =	sadd.s32 @!p0 $0x100000, s0  }
0x1d6: {  	[sflag:s0] =	ssyncadd.tile.s32 @!p0 $0x1;
	_ =	shalt  }
.Lfunc_end2:
_tile_overlayer_lowered:
.L_overlay_start_2:
0x1d7: {  	(tag) =	ssettag $0x2  }
0x1d8: {  	s0 =	rddreg [dreg:$0x0];
	s2 =	stileid.u32  }
0x1d9: {  	s1 =	rddreg [dreg:$0x1];
	p0 =	sne.s32 s2, $0x0  }
0x1da: {  	s3 =	rddreg [dreg:$0x2];
	[bflag:$0x3] =	sbarrier.arrive $0xFFFF;
	s2 =	simm.s32 @!p0 $0x1C03  }
0x1db: {  	[timem:s3], [sflag:s2] =	dma.local @!p0 [hbm:s0], s1  }
0x1dc: {  	s0 =	simm.s32 @!p0 $0x3  }
0x1dd: {  	_ =	swait.ge @!p0 [sflag:s0], s1  }
0x1de: {  	s1 =	ssub.s32 @!p0 $0x0, s1;
	[sflag:s0] =	ssyncset.done @!p0 $0x0  }
0x1df: {  	[sflag:s0] =	ssyncadd.s32 @!p0 s1  }
0x1e0: {  	[bflag:$0x3] =	sbarrier.arrive $0xFFFF  }
0x1e1: {  	_ =	shalt  }

</sc_bundles>
